<compile_context>
chip_gen: v7x
topology: tpu7x:2x2x1
jax: 0.10.2.dev20260603
libtpu: 0.0.44.dev20260713+nightly
codegen_flags: <defaults>
</compile_context>

<pallas_src>
import dataclasses
import functools

import jax
import jax.numpy as jnp
from jax import lax
from jax.experimental import pallas as pl
from jax.experimental.pallas import tpu as pltpu
from jax.experimental.pallas import tpu_sc as plsc

N = 10000
DEG = 32
D = 128
O = 128

NC = 2
NS = 16
NW = NC * NS
NPW = 320
N_PAD = NW * NPW
G = 4
CH = G * DEG
NCH = NPW // G
LANES = 16
NV = O // LANES
NIDX = NPW * DEG

_NEG_SLOPE = 0.01

_BP = 1024
_PKB = 128


def _proj_body(q_ref, wq_ref, wk_ref, qo_ref, kp_ref):
    q = q_ref[...]
    dn = (((0,), (1,)), ((), ()))
    qo_ref[...] = lax.dot_general(q, wq_ref[...], dn,
                                  preferred_element_type=jnp.float32)
    kp_ref[...] = lax.dot_general(q, wk_ref[...], dn,
                                  preferred_element_type=jnp.float32)


def _project(q_pad, wq, wk):
    return pl.pallas_call(
        _proj_body,
        grid=(N_PAD // _BP,),
        in_specs=[
            pl.BlockSpec((D, _BP), lambda i: (0, i)),
            pl.BlockSpec((O, D), lambda i: (0, 0)),
            pl.BlockSpec((O, D), lambda i: (0, 0)),
        ],
        out_specs=[
            pl.BlockSpec((_BP, O), lambda i: (i, 0)),
            pl.BlockSpec((_BP, O), lambda i: (i, 0)),
        ],
        out_shape=[jax.ShapeDtypeStruct((N_PAD, O), jnp.float32)] * 2,
    )(q_pad, wq, wk)


_sc_mesh = plsc.VectorSubcoreMesh(core_axis_name="c", subcore_axis_name="s")

_sc_params = pltpu.CompilerParams()
if "needs_layout_passes" in pltpu.CompilerParams.__dataclass_fields__:
    _sc_params = dataclasses.replace(_sc_params, needs_layout_passes=False)


@functools.partial(
    pl.kernel,
    mesh=_sc_mesh,
    compiler_params=_sc_params,
    out_type=jax.ShapeDtypeStruct((N_PAD, O), jnp.float32),
    scratch_types=[
        pltpu.VMEM((NIDX + LANES,), jnp.int32),
        pltpu.VMEM((NIDX,), jnp.int32),
        pltpu.VMEM((2, G, D), jnp.float32),
        pltpu.VMEM((D,), jnp.float32),
        pltpu.VMEM((2, CH, O), jnp.int32),
        pltpu.VMEM((2, G, O), jnp.float32),
        pltpu.VMEM((DEG, LANES), jnp.float32),
        pltpu.VMEM((DEG,), jnp.float32),
        pltpu.VMEM_SHARED((N_PAD // 2, O), jnp.int32),
        pltpu.SemaphoreType.DMA,
        pltpu.SemaphoreType.DMA,
        pltpu.SemaphoreType.DMA,
        pltpu.SemaphoreType.DMA,
        pltpu.SemaphoreType.DMA,
        pltpu.SemaphoreType.DMA,
    ],
)
def _sc_gat(adj_hbm, kp_hbm, qo_hbm, a_hbm, out_hbm,
            idx_v, pair_v, qo_v, a_v, rows_v, out_v, p_v, e_v, kps_v,
            gsem0, gsem1, osem0, osem1, qsem0, qsem1):
    sid = lax.axis_index("s")
    wid = sid * NC + lax.axis_index("c")
    base = wid * NPW
    rpt = N_PAD // NS
    ppt = rpt // 2

    @pl.loop(0, rpt // _PKB)
    def _stage(blk):
        rowbase = sid * rpt + blk * _PKB
        pltpu.sync_copy(kp_hbm.at[pl.ds(rowbase, _PKB)], rows_v.at[1])

        @pl.loop(0, _PKB // 2)
        def _packrow(p):
            for h in range(2):
                for i in range(NV // 2):
                    va = plsc.bitcast(
                        rows_v[1, 2 * p + h, pl.ds(i * 2 * LANES, LANES)],
                        jnp.float32)
                    vb = plsc.bitcast(
                        rows_v[1, 2 * p + h,
                               pl.ds(i * 2 * LANES + LANES, LANES)],
                        jnp.float32)
                    packed = plsc.pack(va, vb,
                                       format=plsc.PackFormat.INTERLEAVED)
                    rows_v[0, p, pl.ds(h * (O // 2) + i * LANES, LANES)] = (
                        plsc.bitcast(packed, jnp.int32))

        pltpu.sync_copy(rows_v.at[0, pl.ds(0, _PKB // 2)],
                        kps_v.at[pl.ds(sid * ppt + blk * (_PKB // 2),
                                       _PKB // 2)])

    pltpu.sync_copy(adj_hbm.at[pl.ds(base * DEG, NIDX)],
                    idx_v.at[pl.ds(0, NIDX)])
    pltpu.sync_copy(a_hbm, a_v)

    @pl.loop(0, NIDX // LANES)
    def _mkpair(t):
        off = pl.multiple_of(t * LANES, 8)
        pair_v[pl.ds(off, LANES)] = lax.shift_right_logical(
            idx_v[pl.ds(off, LANES)], 1)

    plsc.subcore_barrier()

    a8 = [a_v[pl.ds(i * LANES, LANES)] for i in range(NV)]
    lid = lax.iota(jnp.int32, LANES)
    zero = jnp.zeros((LANES,), jnp.float32)
    gsems = (gsem0, gsem1)
    osems = (osem0, osem1)
    qsems = (qsem0, qsem1)

    def _gather_args(ch, b):
        coff = pl.multiple_of(ch * CH, 8)
        return (kps_v.at[pair_v.at[pl.ds(coff, CH)]], rows_v.at[b], gsems[b])

    def _gather(ch, b):
        return pltpu.async_copy(*_gather_args(ch, b))

    def _qo_args(ch, b):
        return (qo_hbm.at[pl.ds(base + ch * G, G)], qo_v.at[b], qsems[b])

    _gather(0, 0)
    pltpu.async_copy(*_qo_args(0, 0))

    def _half_row(b, r, hoff, i):
        xw = rows_v[b, r, pl.ds(hoff + i * LANES, LANES)]
        return plsc.unpack(plsc.bitcast(xw, jnp.bfloat16),
                           format=plsc.PackFormat.INTERLEAVED)

    @pl.loop(0, NCH, step=2)
    def _chunk(c):
        for b in range(2):
            ch = c + b
            pltpu.make_async_copy(*_gather_args(ch, b)).wait()
            pltpu.make_async_copy(*_qo_args(ch, b)).wait()

            @pl.when(ch + 1 < NCH)
            def _issue(ch=ch, b=b):
                _gather(ch + 1, 1 - b)
                pltpu.async_copy(*_qo_args(ch + 1, 1 - b))

            @pl.when(ch >= 2)
            def _drain(ch=ch, b=b):
                pltpu.make_async_copy(
                    out_v.at[b], out_hbm.at[pl.ds(base + (ch - 2) * G, G)],
                    osems[b]).wait()

            for n in []:
                kbase = ch * CH + n * DEG
                q8 = [qo_v[b, n, pl.ds(i * LANES, LANES)]
                      for i in range(NV)]

                def _score(k, carry, _n=n, _q8=q8, _b=b, _kb=kbase):
                    r = _n * DEG + k
                    par = idx_v[pl.ds(_kb + k, LANES)][0] & 1
                    hoff = par * (O // 2)
                    acc = None
                    for i in range(NV // 2):
                        lo, hi = _half_row(_b, r, hoff, i)
                        for j, v in ((2 * i, lo), (2 * i + 1, hi)):
                            x = _q8[j] + v
                            t = a8[j] * jnp.maximum(x, _NEG_SLOPE * x)
                            acc = t if acc is None else acc + t
                    p_v[k] = acc
                    return carry

                lax.fori_loop(0, DEG, _score, 0, unroll=4)

                s0 = None
                s1 = None
                for l in range(LANES):
                    col = jnp.full((LANES,), l, jnp.int32)
                    c0 = plsc.load_gather(p_v, [lid, col])
                    c1 = plsc.load_gather(p_v, [lid + LANES, col])
                    s0 = c0 if s0 is None else s0 + c0
                    s1 = c1 if s1 is None else s1 + c1

                m = jnp.max(jnp.maximum(s0, s1))
                e0 = jnp.exp(s0 - m)
                e1 = jnp.exp(s1 - m)
                denom = jnp.full((LANES,), jnp.sum(e0) + jnp.sum(e1),
                                 jnp.float32)
                inv = jnp.ones((LANES,), jnp.float32) / denom
                e_v[pl.ds(0, LANES)] = e0
                e_v[pl.ds(LANES, LANES)] = e1

                def _comb(k, acc, _n=n, _b=b, _kb=kbase):
                    es = plsc.load_gather(e_v, [jnp.full((LANES,), k,
                                                         jnp.int32)])
                    r = _n * DEG + k
                    par = idx_v[pl.ds(_kb + k, LANES)][0] & 1
                    hoff = par * (O // 2)
                    out = []
                    for i in range(NV // 2):
                        lo, hi = _half_row(_b, r, hoff, i)
                        out.append(acc[2 * i] + es * lo)
                        out.append(acc[2 * i + 1] + es * hi)
                    return tuple(out)

                acc8 = lax.fori_loop(0, DEG, _comb, (zero,) * NV, unroll=4)
                for i in range(NV):
                    out_v[b, n, pl.ds(i * LANES, LANES)] = acc8[i] * inv

            pltpu.async_copy(
                out_v.at[b], out_hbm.at[pl.ds(base + ch * G, G)], osems[b])

    for b in range(2):
        pltpu.make_async_copy(
            out_v.at[b], out_hbm.at[pl.ds(base + (NCH - 2 + b) * G, G)],
            osems[b]).wait()


def kernel(adj, Q, query_weight, key_weight, attn_weight):
    q_pad = jnp.pad(Q, ((0, 0), (0, N_PAD - N)))
    adj_flat = jnp.pad(adj, ((0, N_PAD - N), (0, 0))).reshape(-1)
    qoT, kpT = _project(q_pad, query_weight[0], key_weight[0])
    kp_words = lax.bitcast_convert_type(kpT, jnp.int32)
    outT = _sc_gat(adj_flat, kp_words, qoT, attn_weight.reshape(O))
    return outT[:N].T[None]

# --- scband reference (transcript-rebuilt; emitter-appended) ---
"""Pipeline reference for scband-ellgat-18537078849856 (READ-ONLY COPY).

The authoritative reference and input builder live on the scoring server;
editing this copy changes nothing except your own understanding.
"""

import jax, jax.numpy as jnp
import numpy as np

N = 10000
DEG = 32
D = 128   # query/key features
H = 1     # attn heads
O = 128   # out features


def setup_inputs(seed: int = 0) -> dict:
    key = jax.random.key(seed)
    k1, k2, k3, k4, k5 = jax.random.split(key, 5)
    adj = jax.random.randint(k1, (N, DEG), 0, N, dtype=jnp.int32)
    Q = jax.random.normal(k2, (D, N), dtype=jnp.float32)
    qw_scale = 2.0 * np.sqrt(6.0 / (D + O * H))
    kw_scale = 2.0 * np.sqrt(6.0 / (D + O * H))
    a_scale = 2.0 * np.sqrt(6.0 / (O + H))
    key_weight = (jax.random.uniform(k3, (H, O, D), dtype=jnp.float32) - 0.5) * kw_scale
    query_weight = (jax.random.uniform(k4, (H, O, D), dtype=jnp.float32) - 0.5) * qw_scale
    attn_weight = (jax.random.uniform(k5, (H, O), dtype=jnp.float32) - 0.5) * a_scale
    return {"adj": adj, "Q": Q, "query_weight": query_weight,
            "key_weight": key_weight, "attn_weight": attn_weight}


def reference(adj, Q, query_weight, key_weight, attn_weight):
    K = Q  # self-attention over graph (K defaults to Q)
    # project keys then gather neighbor features via ELL adjacency
    Kproj = jnp.einsum('hoi,in->hon', key_weight, K)          # [H, O, N]
    Ko = Kproj[..., adj]                                       # [H, O, N, DEG] (gather)
    Qo = jnp.einsum('hoi,in->hon', query_weight, Q)            # [H, O, N]
    X = jax.nn.leaky_relu(Qo[..., None] + Ko)                  # [H, O, N, DEG]
    X = jnp.einsum('hwnk,hw->hnk', X, attn_weight)             # [H, N, DEG]
    X = jnp.where(adj == -1, -jnp.inf, X)
    X = jnp.where((adj != -1).sum(-1, keepdims=True) == 0, 0.0, X)
    attn = jax.nn.softmax(X, axis=-1)                          # [H, N, DEG]
    out = jnp.einsum('hnk,honk->hon', jnp.where(adj == -1, 0.0, attn), Ko)
    return out                                                 # [H, O, N]

if __name__ == "__main__":
    import jax
    _d = setup_inputs()
    print(jax.jit(kernel)(*tuple(_d.values())))

</pallas_src>

<mosaic_0001>
#map = affine_map<(d0, d1) -> (0)>
#map1 = affine_map<(d0, d1) -> (0, 0)>
module attributes {stable_mosaic.version = 14 : i64} {
  func.func @_sc_gat(%arg0: i32, %arg1: i32, %arg2: memref<327680xi32, #tpu.memory_space<hbm>>, %arg3: memref<10240x128xi32, #tpu.memory_space<hbm>>, %arg4: memref<10240x128xf32, #tpu.memory_space<hbm>>, %arg5: memref<128xf32, #tpu.memory_space<hbm>>, %arg6: memref<10240x128xf32, #tpu.memory_space<hbm>>, %arg7: memref<10256xi32, #tpu.memory_space<vmem>>, %arg8: memref<10240xi32, #tpu.memory_space<vmem>>, %arg9: memref<2x4x128xf32, #tpu.memory_space<vmem>>, %arg10: memref<128xf32, #tpu.memory_space<vmem>>, %arg11: memref<2x128x128xi32, #tpu.memory_space<vmem>>, %arg12: memref<2x4x128xf32, #tpu.memory_space<vmem>>, %arg13: memref<32x16xf32, #tpu.memory_space<vmem>>, %arg14: memref<32xf32, #tpu.memory_space<vmem>>, %arg15: memref<5120x128xi32, #tpu.memory_space<vmem_shared>>, %arg16: memref<!tpu.dma_semaphore, #tpu.memory_space<semaphore_mem>>, %arg17: memref<!tpu.dma_semaphore, #tpu.memory_space<semaphore_mem>>, %arg18: memref<!tpu.dma_semaphore, #tpu.memory_space<semaphore_mem>>, %arg19: memref<!tpu.dma_semaphore, #tpu.memory_space<semaphore_mem>>, %arg20: memref<!tpu.dma_semaphore, #tpu.memory_space<semaphore_mem>>, %arg21: memref<!tpu.dma_semaphore, #tpu.memory_space<semaphore_mem>>) attributes {dimension_semantics = [#tpu.dimension_semantics<core_parallel>, #tpu.dimension_semantics<subcore_parallel>], iteration_bounds = array<i64: 2, 16>, scalar_prefetch = 0 : i64, scratch_operands = 15 : i64, tpu.core_type = #tpu.core_type<sc_vector_subcore>, window_params = [{transform_indices = #map}, {transform_indices = #map1}, {transform_indices = #map1}, {transform_indices = #map}, {transform_indices = #map1}]} {
    %mul3A = arith.constant 2 : i32
    %mul3A_0 = arith.muli %arg1, %mul3A : i32
    %add3A = arith.addi %mul3A_0, %arg0 : i32
    %mul3A_1 = arith.constant 320 : i32
    %mul3A_2 = arith.muli %add3A, %mul3A_1 : i32
    %scan3A = arith.constant 0 : i32
    %scan3A_3 = arith.constant 5 : i32
    %scan3A_4 = arith.addi %scan3A, %scan3A_3 : i32
    %scan3A_5 = arith.constant 1 : i32
    scf.for %scan3A_88 = %scan3A to %scan3A_4 step %scan3A_5  : i32 {
      %mul3A_89 = arith.constant 1 : i32
      %mul3A_90 = arith.muli %scan3A_88, %mul3A_89 : i32
      %add3A_91 = arith.constant 0 : i32
      %add3A_92 = arith.addi %add3A_91, %mul3A_90 : i32
      %mul3A_93 = arith.constant 640 : i32
      %mul3A_94 = arith.muli %arg1, %mul3A_93 : i32
      %mul3A_95 = arith.constant 128 : i32
      %mul3A_96 = arith.muli %add3A_92, %mul3A_95 : i32
      %add3A_97 = arith.addi %mul3A_94, %mul3A_96 : i32
      %run_scoped3A = arith.constant 1 : i32
      "tpu.region"() ({
        %run_scoped3A_109 = tpu.sem_alloc : memref<!tpu.dma_semaphore, #tpu.memory_space<semaphore_mem>>
        %dma_start3A_110 = arith.constant 0 : i32
        %dma_start3A_111 = arith.constant 0 : i32
        %dma_start3A_112 = tpu.memref_slice %arg11[%run_scoped3A, %dma_start3A_110, %dma_start3A_111] : memref<2x128x128xi32, #tpu.memory_space<vmem>> -> memref<1x128x128xi32, #tpu.memory_space<vmem>>
        %dma_start3A_113 = tpu.memref_squeeze %dma_start3A_112 : memref<1x128x128xi32, #tpu.memory_space<vmem>> -> memref<128x128xi32, #tpu.memory_space<vmem>>
        %dma_start3A_114 = arith.constant 0 : i32
        %dma_start3A_115 = tpu.memref_slice %arg3[%add3A_97, %dma_start3A_114] : memref<10240x128xi32, #tpu.memory_space<hbm>> -> memref<128x128xi32, #tpu.memory_space<hbm>>
        %dma_start3A_116 = arith.constant 0 : i32
        %dma_start3A_117 = arith.constant 0 : i32
        %dma_start3A_118 = tpu.memref_slice %arg11[%run_scoped3A, %dma_start3A_116, %dma_start3A_117] : memref<2x128x128xi32, #tpu.memory_space<vmem>> -> memref<1x128x128xi32, #tpu.memory_space<vmem>>
        %dma_start3A_119 = tpu.memref_squeeze %dma_start3A_118 : memref<1x128x128xi32, #tpu.memory_space<vmem>> -> memref<128x128xi32, #tpu.memory_space<vmem>>
        %dma_start3A_120 = arith.constant 0 : i32
        %dma_start3A_121 = tpu.memref_slice %arg3[%add3A_97, %dma_start3A_120] : memref<10240x128xi32, #tpu.memory_space<hbm>> -> memref<128x128xi32, #tpu.memory_space<hbm>>
        tpu.enqueue_dma source(%dma_start3A_121 : memref<128x128xi32, #tpu.memory_space<hbm>>) target(%dma_start3A_119 : memref<128x128xi32, #tpu.memory_space<vmem>>) target_semaphore(%run_scoped3A_109 : memref<!tpu.dma_semaphore, #tpu.memory_space<semaphore_mem>>)
        %dma_wait3A_122 = arith.constant 0 : i32
        %dma_wait3A_123 = arith.constant 0 : i32
        %dma_wait3A_124 = tpu.memref_slice %arg11[%run_scoped3A, %dma_wait3A_122, %dma_wait3A_123] : memref<2x128x128xi32, #tpu.memory_space<vmem>> -> memref<1x128x128xi32, #tpu.memory_space<vmem>>
        %dma_wait3A_125 = tpu.memref_squeeze %dma_wait3A_124 : memref<1x128x128xi32, #tpu.memory_space<vmem>> -> memref<128x128xi32, #tpu.memory_space<vmem>>
        %dma_wait3A_126 = arith.constant 0 : i32
        %dma_wait3A_127 = tpu.memref_slice %arg3[%add3A_97, %dma_wait3A_126] : memref<10240x128xi32, #tpu.memory_space<hbm>> -> memref<128x128xi32, #tpu.memory_space<hbm>>
        %dma_wait3A_128 = arith.constant 0 : i32
        %dma_wait3A_129 = arith.constant 0 : i32
        %dma_wait3A_130 = tpu.memref_slice %arg11[%run_scoped3A, %dma_wait3A_128, %dma_wait3A_129] : memref<2x128x128xi32, #tpu.memory_space<vmem>> -> memref<1x128x128xi32, #tpu.memory_space<vmem>>
        %dma_wait3A_131 = tpu.memref_squeeze %dma_wait3A_130 : memref<1x128x128xi32, #tpu.memory_space<vmem>> -> memref<128x128xi32, #tpu.memory_space<vmem>>
        %dma_wait3A_132 = arith.constant 0 : i32
        %dma_wait3A_133 = tpu.memref_slice %arg3[%add3A_97, %dma_wait3A_132] : memref<10240x128xi32, #tpu.memory_space<hbm>> -> memref<128x128xi32, #tpu.memory_space<hbm>>
        tpu.wait_dma2 semaphore(%run_scoped3A_109 : memref<!tpu.dma_semaphore, #tpu.memory_space<semaphore_mem>>) src(%dma_wait3A_133 : memref<128x128xi32, #tpu.memory_space<hbm>>) dst(%dma_wait3A_131 : memref<128x128xi32, #tpu.memory_space<vmem>>)
        tpu.yield
      }) : () -> ()
      %scan3A_98 = arith.constant 0 : i32
      %scan3A_99 = arith.constant 64 : i32
      %scan3A_100 = arith.addi %scan3A_98, %scan3A_99 : i32
      %scan3A_101 = arith.constant 1 : i32
      scf.for %scan3A_109 = %scan3A_98 to %scan3A_100 step %scan3A_101  : i32 {
        %mul3A_110 = arith.constant 1 : i32
        %mul3A_111 = arith.muli %scan3A_109, %mul3A_110 : i32
        %add3A_112 = arith.constant 0 : i32
        %add3A_113 = arith.addi %add3A_112, %mul3A_111 : i32
        %mul3A_114 = arith.constant 2 : i32
        %mul3A_115 = arith.muli %mul3A_114, %add3A_113 : i32
        %add3A_116 = arith.constant 0 : i32
        %add3A_117 = arith.addi %mul3A_115, %add3A_116 : i32
        %get3A_118 = arith.constant 1 : i32
        %get3A_119 = arith.index_cast %get3A_118 : i32 to index
        %get3A_120 = arith.index_cast %add3A_117 : i32 to index
        %get3A_121 = arith.constant 0 : index
        %get3A_122 = tpu.vector_load %arg11[%get3A_119, %get3A_120, %get3A_121] {strides = array<i32>} : memref<2x128x128xi32, #tpu.memory_space<vmem>>, vector<16xi32>,
        %bitcast3A = vector.bitcast %get3A_122 : vector<16xi32> to vector<16xf32>
        %mul3A_123 = arith.constant 2 : i32
        %mul3A_124 = arith.muli %mul3A_123, %add3A_113 : i32
        %add3A_125 = arith.constant 0 : i32
        %add3A_126 = arith.addi %mul3A_124, %add3A_125 : i32
        %get3A_127 = arith.constant 1 : i32
        %get3A_128 = arith.index_cast %get3A_127 : i32 to index
        %get3A_129 = arith.index_cast %add3A_126 : i32 to index
        %get3A_130 = arith.constant 16 : index
        %get3A_131 = tpu.vector_load %arg11[%get3A_128, %get3A_129, %get3A_130] {strides = array<i32>} : memref<2x128x128xi32, #tpu.memory_space<vmem>>, vector<16xi32>,
        %bitcast3A_132 = vector.bitcast %get3A_131 : vector<16xi32> to vector<16xf32>
        %pack3A = tpu.pack_subelements %bitcast3A, %bitcast3A_132 {pack_format = #tpu.pack_format<interleaved>, positions = array<i32: 0, 1>} : vector<16xf32>, vector<16xf32> -> vector<32xbf16>
        %bitcast3A_133 = vector.bitcast %pack3A : vector<32xbf16> to vector<16xi32>
        %swap3A = arith.constant 0 : i32
        %swap3A_134 = arith.index_cast %swap3A : i32 to index
        %swap3A_135 = arith.index_cast %add3A_113 : i32 to index
        %swap3A_136 = arith.constant 0 : index
        %swap3A_137 = tpu.vector_load %arg11[%swap3A_134, %swap3A_135, %swap3A_136] {strides = array<i32>} : memref<2x128x128xi32, #tpu.memory_space<vmem>>, vector<16xi32>,
        tpu.vector_store %arg11[%swap3A_134, %swap3A_135, %swap3A_136], %bitcast3A_133 {strides = array<i32>} : memref<2x128x128xi32, #tpu.memory_space<vmem>>, vector<16xi32>,
        %mul3A_138 = arith.constant 2 : i32
        %mul3A_139 = arith.muli %mul3A_138, %add3A_113 : i32
        %add3A_140 = arith.constant 0 : i32
        %add3A_141 = arith.addi %mul3A_139, %add3A_140 : i32
        %get3A_142 = arith.constant 1 : i32
        %get3A_143 = arith.index_cast %get3A_142 : i32 to index
        %get3A_144 = arith.index_cast %add3A_141 : i32 to index
        %get3A_145 = arith.constant 32 : index
        %get3A_146 = tpu.vector_load %arg11[%get3A_143, %get3A_144, %get3A_145] {strides = array<i32>} : memref<2x128x128xi32, #tpu.memory_space<vmem>>, vector<16xi32>,
        %bitcast3A_147 = vector.bitcast %get3A_146 : vector<16xi32> to vector<16xf32>
        %mul3A_148 = arith.constant 2 : i32
        %mul3A_149 = arith.muli %mul3A_148, %add3A_113 : i32
        %add3A_150 = arith.constant 0 : i32
        %add3A_151 = arith.addi %mul3A_149, %add3A_150 : i32
        %get3A_152 = arith.constant 1 : i32
        %get3A_153 = arith.index_cast %get3A_152 : i32 to index
        %get3A_154 = arith.index_cast %add3A_151 : i32 to index
        %get3A_155 = arith.constant 48 : index
        %get3A_156 = tpu.vector_load %arg11[%get3A_153, %get3A_154, %get3A_155] {strides = array<i32>} : memref<2x128x128xi32, #tpu.memory_space<vmem>>, vector<16xi32>,
        %bitcast3A_157 = vector.bitcast %get3A_156 : vector<16xi32> to vector<16xf32>
        %pack3A_158 = tpu.pack_subelements %bitcast3A_147, %bitcast3A_157 {pack_format = #tpu.pack_format<interleaved>, positions = array<i32: 0, 1>} : vector<16xf32>, vector<16xf32> -> vector<32xbf16>
        %bitcast3A_159 = vector.bitcast %pack3A_158 : vector<32xbf16> to vector<16xi32>
        %swap3A_160 = arith.constant 0 : i32
        %swap3A_161 = arith.index_cast %swap3A_160 : i32 to index
        %swap3A_162 = arith.index_cast %add3A_113 : i32 to index
        %swap3A_163 = arith.constant 16 : index
        %swap3A_164 = tpu.vector_load %arg11[%swap3A_161, %swap3A_162, %swap3A_163] {strides = array<i32>} : memref<2x128x128xi32, #tpu.memory_space<vmem>>, vector<16xi32>,
        tpu.vector_store %arg11[%swap3A_161, %swap3A_162, %swap3A_163], %bitcast3A_159 {strides = array<i32>} : memref<2x128x128xi32, #tpu.memory_space<vmem>>, vector<16xi32>,
        %mul3A_165 = arith.constant 2 : i32
        %mul3A_166 = arith.muli %mul3A_165, %add3A_113 : i32
        %add3A_167 = arith.constant 0 : i32
        %add3A_168 = arith.addi %mul3A_166, %add3A_167 : i32
        %get3A_169 = arith.constant 1 : i32
        %get3A_170 = arith.index_cast %get3A_169 : i32 to index
        %get3A_171 = arith.index_cast %add3A_168 : i32 to index
        %get3A_172 = arith.constant 64 : index
        %get3A_173 = tpu.vector_load %arg11[%get3A_170, %get3A_171, %get3A_172] {strides = array<i32>} : memref<2x128x128xi32, #tpu.memory_space<vmem>>, vector<16xi32>,
        %bitcast3A_174 = vector.bitcast %get3A_173 : vector<16xi32> to vector<16xf32>
        %mul3A_175 = arith.constant 2 : i32
        %mul3A_176 = arith.muli %mul3A_175, %add3A_113 : i32
        %add3A_177 = arith.constant 0 : i32
        %add3A_178 = arith.addi %mul3A_176, %add3A_177 : i32
        %get3A_179 = arith.constant 1 : i32
        %get3A_180 = arith.index_cast %get3A_179 : i32 to index
        %get3A_181 = arith.index_cast %add3A_178 : i32 to index
        %get3A_182 = arith.constant 80 : index
        %get3A_183 = tpu.vector_load %arg11[%get3A_180, %get3A_181, %get3A_182] {strides = array<i32>} : memref<2x128x128xi32, #tpu.memory_space<vmem>>, vector<16xi32>,
        %bitcast3A_184 = vector.bitcast %get3A_183 : vector<16xi32> to vector<16xf32>
        %pack3A_185 = tpu.pack_subelements %bitcast3A_174, %bitcast3A_184 {pack_format = #tpu.pack_format<interleaved>, positions = array<i32: 0, 1>} : vector<16xf32>, vector<16xf32> -> vector<32xbf16>
        %bitcast3A_186 = vector.bitcast %pack3A_185 : vector<32xbf16> to vector<16xi32>
        %swap3A_187 = arith.constant 0 : i32
        %swap3A_188 = arith.index_cast %swap3A_187 : i32 to index
        %swap3A_189 = arith.index_cast %add3A_113 : i32 to index
        %swap3A_190 = arith.constant 32 : index
        %swap3A_191 = tpu.vector_load %arg11[%swap3A_188, %swap3A_189, %swap3A_190] {strides = array<i32>} : memref<2x128x128xi32, #tpu.memory_space<vmem>>, vector<16xi32>,
        tpu.vector_store %arg11[%swap3A_188, %swap3A_189, %swap3A_190], %bitcast3A_186 {strides = array<i32>} : memref<2x128x128xi32, #tpu.memory_space<vmem>>, vector<16xi32>,
        %mul3A_192 = arith.constant 2 : i32
        %mul3A_193 = arith.muli %mul3A_192, %add3A_113 : i32
        %add3A_194 = arith.constant 0 : i32
        %add3A_195 = arith.addi %mul3A_193, %add3A_194 : i32
        %get3A_196 = arith.constant 1 : i32
        %get3A_197 = arith.index_cast %get3A_196 : i32 to index
        %get3A_198 = arith.index_cast %add3A_195 : i32 to index
        %get3A_199 = arith.constant 96 : index
        %get3A_200 = tpu.vector_load %arg11[%get3A_197, %get3A_198, %get3A_199] {strides = array<i32>} : memref<2x128x128xi32, #tpu.memory_space<vmem>>, vector<16xi32>,
        %bitcast3A_201 = vector.bitcast %get3A_200 : vector<16xi32> to vector<16xf32>
        %mul3A_202 = arith.constant 2 : i32
        %mul3A_203 = arith.muli %mul3A_202, %add3A_113 : i32
        %add3A_204 = arith.constant 0 : i32
        %add3A_205 = arith.addi %mul3A_203, %add3A_204 : i32
        %get3A_206 = arith.constant 1 : i32
        %get3A_207 = arith.index_cast %get3A_206 : i32 to index
        %get3A_208 = arith.index_cast %add3A_205 : i32 to index
        %get3A_209 = arith.constant 112 : index
        %get3A_210 = tpu.vector_load %arg11[%get3A_207, %get3A_208, %get3A_209] {strides = array<i32>} : memref<2x128x128xi32, #tpu.memory_space<vmem>>, vector<16xi32>,
        %bitcast3A_211 = vector.bitcast %get3A_210 : vector<16xi32> to vector<16xf32>
        %pack3A_212 = tpu.pack_subelements %bitcast3A_201, %bitcast3A_211 {pack_format = #tpu.pack_format<interleaved>, positions = array<i32: 0, 1>} : vector<16xf32>, vector<16xf32> -> vector<32xbf16>
        %bitcast3A_213 = vector.bitcast %pack3A_212 : vector<32xbf16> to vector<16xi32>
        %swap3A_214 = arith.constant 0 : i32
        %swap3A_215 = arith.index_cast %swap3A_214 : i32 to index
        %swap3A_216 = arith.index_cast %add3A_113 : i32 to index
        %swap3A_217 = arith.constant 48 : index
        %swap3A_218 = tpu.vector_load %arg11[%swap3A_215, %swap3A_216, %swap3A_217] {strides = array<i32>} : memref<2x128x128xi32, #tpu.memory_space<vmem>>, vector<16xi32>,
        tpu.vector_store %arg11[%swap3A_215, %swap3A_216, %swap3A_217], %bitcast3A_213 {strides = array<i32>} : memref<2x128x128xi32, #tpu.memory_space<vmem>>, vector<16xi32>,
        %mul3A_219 = arith.constant 2 : i32
        %mul3A_220 = arith.muli %mul3A_219, %add3A_113 : i32
        %add3A_221 = arith.constant 1 : i32
        %add3A_222 = arith.addi %mul3A_220, %add3A_221 : i32
        %get3A_223 = arith.constant 1 : i32
        %get3A_224 = arith.index_cast %get3A_223 : i32 to index
        %get3A_225 = arith.index_cast %add3A_222 : i32 to index
        %get3A_226 = arith.constant 0 : index
        %get3A_227 = tpu.vector_load %arg11[%get3A_224, %get3A_225, %get3A_226] {strides = array<i32>} : memref<2x128x128xi32, #tpu.memory_space<vmem>>, vector<16xi32>,
        %bitcast3A_228 = vector.bitcast %get3A_227 : vector<16xi32> to vector<16xf32>
        %mul3A_229 = arith.constant 2 : i32
        %mul3A_230 = arith.muli %mul3A_229, %add3A_113 : i32
        %add3A_231 = arith.constant 1 : i32
        %add3A_232 = arith.addi %mul3A_230, %add3A_231 : i32
        %get3A_233 = arith.constant 1 : i32
        %get3A_234 = arith.index_cast %get3A_233 : i32 to index
        %get3A_235 = arith.index_cast %add3A_232 : i32 to index
        %get3A_236 = arith.constant 16 : index
        %get3A_237 = tpu.vector_load %arg11[%get3A_234, %get3A_235, %get3A_236] {strides = array<i32>} : memref<2x128x128xi32, #tpu.memory_space<vmem>>, vector<16xi32>,
        %bitcast3A_238 = vector.bitcast %get3A_237 : vector<16xi32> to vector<16xf32>
        %pack3A_239 = tpu.pack_subelements %bitcast3A_228, %bitcast3A_238 {pack_format = #tpu.pack_format<interleaved>, positions = array<i32: 0, 1>} : vector<16xf32>, vector<16xf32> -> vector<32xbf16>
        %bitcast3A_240 = vector.bitcast %pack3A_239 : vector<32xbf16> to vector<16xi32>
        %swap3A_241 = arith.constant 0 : i32
        %swap3A_242 = arith.index_cast %swap3A_241 : i32 to index
        %swap3A_243 = arith.index_cast %add3A_113 : i32 to index
        %swap3A_244 = arith.constant 64 : index
        %swap3A_245 = tpu.vector_load %arg11[%swap3A_242, %swap3A_243, %swap3A_244] {strides = array<i32>} : memref<2x128x128xi32, #tpu.memory_space<vmem>>, vector<16xi32>,
        tpu.vector_store %arg11[%swap3A_242, %swap3A_243, %swap3A_244], %bitcast3A_240 {strides = array<i32>} : memref<2x128x128xi32, #tpu.memory_space<vmem>>, vector<16xi32>,
        %mul3A_246 = arith.constant 2 : i32
        %mul3A_247 = arith.muli %mul3A_246, %add3A_113 : i32
        %add3A_248 = arith.constant 1 : i32
        %add3A_249 = arith.addi %mul3A_247, %add3A_248 : i32
        %get3A_250 = arith.constant 1 : i32
        %get3A_251 = arith.index_cast %get3A_250 : i32 to index
        %get3A_252 = arith.index_cast %add3A_249 : i32 to index
        %get3A_253 = arith.constant 32 : index
        %get3A_254 = tpu.vector_load %arg11[%get3A_251, %get3A_252, %get3A_253] {strides = array<i32>} : memref<2x128x128xi32, #tpu.memory_space<vmem>>, vector<16xi32>,
        %bitcast3A_255 = vector.bitcast %get3A_254 : vector<16xi32> to vector<16xf32>
        %mul3A_256 = arith.constant 2 : i32
        %mul3A_257 = arith.muli %mul3A_256, %add3A_113 : i32
        %add3A_258 = arith.constant 1 : i32
        %add3A_259 = arith.addi %mul3A_257, %add3A_258 : i32
        %get3A_260 = arith.constant 1 : i32
        %get3A_261 = arith.index_cast %get3A_260 : i32 to index
        %get3A_262 = arith.index_cast %add3A_259 : i32 to index
        %get3A_263 = arith.constant 48 : index
        %get3A_264 = tpu.vector_load %arg11[%get3A_261, %get3A_262, %get3A_263] {strides = array<i32>} : memref<2x128x128xi32, #tpu.memory_space<vmem>>, vector<16xi32>,
        %bitcast3A_265 = vector.bitcast %get3A_264 : vector<16xi32> to vector<16xf32>
        %pack3A_266 = tpu.pack_subelements %bitcast3A_255, %bitcast3A_265 {pack_format = #tpu.pack_format<interleaved>, positions = array<i32: 0, 1>} : vector<16xf32>, vector<16xf32> -> vector<32xbf16>
        %bitcast3A_267 = vector.bitcast %pack3A_266 : vector<32xbf16> to vector<16xi32>
        %swap3A_268 = arith.constant 0 : i32
        %swap3A_269 = arith.index_cast %swap3A_268 : i32 to index
        %swap3A_270 = arith.index_cast %add3A_113 : i32 to index
        %swap3A_271 = arith.constant 80 : index
        %swap3A_272 = tpu.vector_load %arg11[%swap3A_269, %swap3A_270, %swap3A_271] {strides = array<i32>} : memref<2x128x128xi32, #tpu.memory_space<vmem>>, vector<16xi32>,
        tpu.vector_store %arg11[%swap3A_269, %swap3A_270, %swap3A_271], %bitcast3A_267 {strides = array<i32>} : memref<2x128x128xi32, #tpu.memory_space<vmem>>, vector<16xi32>,
        %mul3A_273 = arith.constant 2 : i32
        %mul3A_274 = arith.muli %mul3A_273, %add3A_113 : i32
        %add3A_275 = arith.constant 1 : i32
        %add3A_276 = arith.addi %mul3A_274, %add3A_275 : i32
        %get3A_277 = arith.constant 1 : i32
        %get3A_278 = arith.index_cast %get3A_277 : i32 to index
        %get3A_279 = arith.index_cast %add3A_276 : i32 to index
        %get3A_280 = arith.constant 64 : index
        %get3A_281 = tpu.vector_load %arg11[%get3A_278, %get3A_279, %get3A_280] {strides = array<i32>} : memref<2x128x128xi32, #tpu.memory_space<vmem>>, vector<16xi32>,
        %bitcast3A_282 = vector.bitcast %get3A_281 : vector<16xi32> to vector<16xf32>
        %mul3A_283 = arith.constant 2 : i32
        %mul3A_284 = arith.muli %mul3A_283, %add3A_113 : i32
        %add3A_285 = arith.constant 1 : i32
        %add3A_286 = arith.addi %mul3A_284, %add3A_285 : i32
        %get3A_287 = arith.constant 1 : i32
        %get3A_288 = arith.index_cast %get3A_287 : i32 to index
        %get3A_289 = arith.index_cast %add3A_286 : i32 to index
        %get3A_290 = arith.constant 80 : index
        %get3A_291 = tpu.vector_load %arg11[%get3A_288, %get3A_289, %get3A_290] {strides = array<i32>} : memref<2x128x128xi32, #tpu.memory_space<vmem>>, vector<16xi32>,
        %bitcast3A_292 = vector.bitcast %get3A_291 : vector<16xi32> to vector<16xf32>
        %pack3A_293 = tpu.pack_subelements %bitcast3A_282, %bitcast3A_292 {pack_format = #tpu.pack_format<interleaved>, positions = array<i32: 0, 1>} : vector<16xf32>, vector<16xf32> -> vector<32xbf16>
        %bitcast3A_294 = vector.bitcast %pack3A_293 : vector<32xbf16> to vector<16xi32>
        %swap3A_295 = arith.constant 0 : i32
        %swap3A_296 = arith.index_cast %swap3A_295 : i32 to index
        %swap3A_297 = arith.index_cast %add3A_113 : i32 to index
        %swap3A_298 = arith.constant 96 : index
        %swap3A_299 = tpu.vector_load %arg11[%swap3A_296, %swap3A_297, %swap3A_298] {strides = array<i32>} : memref<2x128x128xi32, #tpu.memory_space<vmem>>, vector<16xi32>,
        tpu.vector_store %arg11[%swap3A_296, %swap3A_297, %swap3A_298], %bitcast3A_294 {strides = array<i32>} : memref<2x128x128xi32, #tpu.memory_space<vmem>>, vector<16xi32>,
        %mul3A_300 = arith.constant 2 : i32
        %mul3A_301 = arith.muli %mul3A_300, %add3A_113 : i32
        %add3A_302 = arith.constant 1 : i32
        %add3A_303 = arith.addi %mul3A_301, %add3A_302 : i32
        %get3A_304 = arith.constant 1 : i32
        %get3A_305 = arith.index_cast %get3A_304 : i32 to index
        %get3A_306 = arith.index_cast %add3A_303 : i32 to index
        %get3A_307 = arith.constant 96 : index
        %get3A_308 = tpu.vector_load %arg11[%get3A_305, %get3A_306, %get3A_307] {strides = array<i32>} : memref<2x128x128xi32, #tpu.memory_space<vmem>>, vector<16xi32>,
        %bitcast3A_309 = vector.bitcast %get3A_308 : vector<16xi32> to vector<16xf32>
        %mul3A_310 = arith.constant 2 : i32
        %mul3A_311 = arith.muli %mul3A_310, %add3A_113 : i32
        %add3A_312 = arith.constant 1 : i32
        %add3A_313 = arith.addi %mul3A_311, %add3A_312 : i32
        %get3A_314 = arith.constant 1 : i32
        %get3A_315 = arith.index_cast %get3A_314 : i32 to index
        %get3A_316 = arith.index_cast %add3A_313 : i32 to index
        %get3A_317 = arith.constant 112 : index
        %get3A_318 = tpu.vector_load %arg11[%get3A_315, %get3A_316, %get3A_317] {strides = array<i32>} : memref<2x128x128xi32, #tpu.memory_space<vmem>>, vector<16xi32>,
        %bitcast3A_319 = vector.bitcast %get3A_318 : vector<16xi32> to vector<16xf32>
        %pack3A_320 = tpu.pack_subelements %bitcast3A_309, %bitcast3A_319 {pack_format = #tpu.pack_format<interleaved>, positions = array<i32: 0, 1>} : vector<16xf32>, vector<16xf32> -> vector<32xbf16>
        %bitcast3A_321 = vector.bitcast %pack3A_320 : vector<32xbf16> to vector<16xi32>
        %swap3A_322 = arith.constant 0 : i32
        %swap3A_323 = arith.index_cast %swap3A_322 : i32 to index
        %swap3A_324 = arith.index_cast %add3A_113 : i32 to index
        %swap3A_325 = arith.constant 112 : index
        %swap3A_326 = tpu.vector_load %arg11[%swap3A_323, %swap3A_324, %swap3A_325] {strides = array<i32>} : memref<2x128x128xi32, #tpu.memory_space<vmem>>, vector<16xi32>,
        tpu.vector_store %arg11[%swap3A_323, %swap3A_324, %swap3A_325], %bitcast3A_321 {strides = array<i32>} : memref<2x128x128xi32, #tpu.memory_space<vmem>>, vector<16xi32>,
      }
      %scan3A_102 = arith.constant 64 : i32
      %mul3A_103 = arith.constant 320 : i32
      %mul3A_104 = arith.muli %arg1, %mul3A_103 : i32
      %mul3A_105 = arith.constant 64 : i32
      %mul3A_106 = arith.muli %add3A_92, %mul3A_105 : i32
      %add3A_107 = arith.addi %mul3A_104, %mul3A_106 : i32
      %run_scoped3A_108 = arith.constant 0 : i32
      "tpu.region"() ({
        %run_scoped3A_109 = tpu.sem_alloc : memref<!tpu.dma_semaphore, #tpu.memory_space<semaphore_mem>>
        %dma_start3A_110 = arith.constant 0 : i32
        %dma_start3A_111 = arith.constant 0 : i32
        %dma_start3A_112 = tpu.memref_slice %arg11[%run_scoped3A_108, %dma_start3A_110, %dma_start3A_111] : memref<2x128x128xi32, #tpu.memory_space<vmem>> -> memref<1x64x128xi32, #tpu.memory_space<vmem>>
        %dma_start3A_113 = tpu.memref_squeeze %dma_start3A_112 : memref<1x64x128xi32, #tpu.memory_space<vmem>> -> memref<64x128xi32, #tpu.memory_space<vmem>>
        %dma_start3A_114 = arith.constant 0 : i32
        %dma_start3A_115 = tpu.memref_slice %arg15[%add3A_107, %dma_start3A_114] : memref<5120x128xi32, #tpu.memory_space<vmem_shared>> -> memref<64x128xi32, #tpu.memory_space<vmem_shared>>
        %dma_start3A_116 = arith.constant 0 : i32
        %dma_start3A_117 = tpu.memref_slice %arg15[%add3A_107, %dma_start3A_116] : memref<5120x128xi32, #tpu.memory_space<vmem_shared>> -> memref<64x128xi32, #tpu.memory_space<vmem_shared>>
        %dma_start3A_118 = arith.constant 0 : i32
        %dma_start3A_119 = arith.constant 0 : i32
        %dma_start3A_120 = tpu.memref_slice %arg11[%run_scoped3A_108, %dma_start3A_118, %dma_start3A_119] : memref<2x128x128xi32, #tpu.memory_space<vmem>> -> memref<1x64x128xi32, #tpu.memory_space<vmem>>
        %dma_start3A_121 = tpu.memref_squeeze %dma_start3A_120 : memref<1x64x128xi32, #tpu.memory_space<vmem>> -> memref<64x128xi32, #tpu.memory_space<vmem>>
        tpu.enqueue_dma source(%dma_start3A_121 : memref<64x128xi32, #tpu.memory_space<vmem>>) target(%dma_start3A_117 : memref<64x128xi32, #tpu.memory_space<vmem_shared>>) target_semaphore(%run_scoped3A_109 : memref<!tpu.dma_semaphore, #tpu.memory_space<semaphore_mem>>)
        %dma_wait3A_122 = arith.constant 0 : i32
        %dma_wait3A_123 = arith.constant 0 : i32
        %dma_wait3A_124 = tpu.memref_slice %arg11[%run_scoped3A_108, %dma_wait3A_122, %dma_wait3A_123] : memref<2x128x128xi32, #tpu.memory_space<vmem>> -> memref<1x64x128xi32, #tpu.memory_space<vmem>>
        %dma_wait3A_125 = tpu.memref_squeeze %dma_wait3A_124 : memref<1x64x128xi32, #tpu.memory_space<vmem>> -> memref<64x128xi32, #tpu.memory_space<vmem>>
        %dma_wait3A_126 = arith.constant 0 : i32
        %dma_wait3A_127 = tpu.memref_slice %arg15[%add3A_107, %dma_wait3A_126] : memref<5120x128xi32, #tpu.memory_space<vmem_shared>> -> memref<64x128xi32, #tpu.memory_space<vmem_shared>>
        %dma_wait3A_128 = arith.constant 0 : i32
        %dma_wait3A_129 = tpu.memref_slice %arg15[%add3A_107, %dma_wait3A_128] : memref<5120x128xi32, #tpu.memory_space<vmem_shared>> -> memref<64x128xi32, #tpu.memory_space<vmem_shared>>
        %dma_wait3A_130 = arith.constant 0 : i32
        %dma_wait3A_131 = arith.constant 0 : i32
        %dma_wait3A_132 = tpu.memref_slice %arg11[%run_scoped3A_108, %dma_wait3A_130, %dma_wait3A_131] : memref<2x128x128xi32, #tpu.memory_space<vmem>> -> memref<1x64x128xi32, #tpu.memory_space<vmem>>
        %dma_wait3A_133 = tpu.memref_squeeze %dma_wait3A_132 : memref<1x64x128xi32, #tpu.memory_space<vmem>> -> memref<64x128xi32, #tpu.memory_space<vmem>>
        tpu.wait_dma2 semaphore(%run_scoped3A_109 : memref<!tpu.dma_semaphore, #tpu.memory_space<semaphore_mem>>) src(%dma_wait3A_133 : memref<64x128xi32, #tpu.memory_space<vmem>>) dst(%dma_wait3A_129 : memref<64x128xi32, #tpu.memory_space<vmem_shared>>)
        tpu.yield
      }) : () -> ()
    }
    %scan3A_6 = arith.constant 5 : i32
    %mul3A_7 = arith.constant 32 : i32
    %mul3A_8 = arith.muli %mul3A_2, %mul3A_7 : i32
    "tpu.region"() ({
      %run_scoped3A = tpu.sem_alloc : memref<!tpu.dma_semaphore, #tpu.memory_space<semaphore_mem>>
      %dma_start3A_88 = arith.constant 0 : i32
      %dma_start3A_89 = tpu.memref_slice %arg7[%dma_start3A_88] : memref<10256xi32, #tpu.memory_space<vmem>> -> memref<10240xi32, #tpu.memory_space<vmem>>
      %dma_start3A_90 = tpu.memref_slice %arg2[%mul3A_8] : memref<327680xi32, #tpu.memory_space<hbm>> -> memref<10240xi32, #tpu.memory_space<hbm>>
      %dma_start3A_91 = arith.constant 0 : i32
      %dma_start3A_92 = tpu.memref_slice %arg7[%dma_start3A_91] : memref<10256xi32, #tpu.memory_space<vmem>> -> memref<10240xi32, #tpu.memory_space<vmem>>
      %dma_start3A_93 = tpu.memref_slice %arg2[%mul3A_8] : memref<327680xi32, #tpu.memory_space<hbm>> -> memref<10240xi32, #tpu.memory_space<hbm>>
      tpu.enqueue_dma source(%dma_start3A_93 : memref<10240xi32, #tpu.memory_space<hbm>>) target(%dma_start3A_92 : memref<10240xi32, #tpu.memory_space<vmem>>) target_semaphore(%run_scoped3A : memref<!tpu.dma_semaphore, #tpu.memory_space<semaphore_mem>>)
      %dma_wait3A_94 = arith.constant 0 : i32
      %dma_wait3A_95 = tpu.memref_slice %arg7[%dma_wait3A_94] : memref<10256xi32, #tpu.memory_space<vmem>> -> memref<10240xi32, #tpu.memory_space<vmem>>
      %dma_wait3A_96 = tpu.memref_slice %arg2[%mul3A_8] : memref<327680xi32, #tpu.memory_space<hbm>> -> memref<10240xi32, #tpu.memory_space<hbm>>
      %dma_wait3A_97 = arith.constant 0 : i32
      %dma_wait3A_98 = tpu.memref_slice %arg7[%dma_wait3A_97] : memref<10256xi32, #tpu.memory_space<vmem>> -> memref<10240xi32, #tpu.memory_space<vmem>>
      %dma_wait3A_99 = tpu.memref_slice %arg2[%mul3A_8] : memref<327680xi32, #tpu.memory_space<hbm>> -> memref<10240xi32, #tpu.memory_space<hbm>>
      tpu.wait_dma2 semaphore(%run_scoped3A : memref<!tpu.dma_semaphore, #tpu.memory_space<semaphore_mem>>) src(%dma_wait3A_99 : memref<10240xi32, #tpu.memory_space<hbm>>) dst(%dma_wait3A_98 : memref<10240xi32, #tpu.memory_space<vmem>>)
      tpu.yield
    }) : () -> ()
    "tpu.region"() ({
      %run_scoped3A = tpu.sem_alloc : memref<!tpu.dma_semaphore, #tpu.memory_space<semaphore_mem>>
      tpu.enqueue_dma source(%arg5 : memref<128xf32, #tpu.memory_space<hbm>>) target(%arg10 : memref<128xf32, #tpu.memory_space<vmem>>) target_semaphore(%run_scoped3A : memref<!tpu.dma_semaphore, #tpu.memory_space<semaphore_mem>>)
      tpu.wait_dma2 semaphore(%run_scoped3A : memref<!tpu.dma_semaphore, #tpu.memory_space<semaphore_mem>>) src(%arg5 : memref<128xf32, #tpu.memory_space<hbm>>) dst(%arg10 : memref<128xf32, #tpu.memory_space<vmem>>)
      tpu.yield
    }) : () -> ()
    %scan3A_9 = arith.constant 0 : i32
    %scan3A_10 = arith.constant 640 : i32
    %scan3A_11 = arith.addi %scan3A_9, %scan3A_10 : i32
    %scan3A_12 = arith.constant 1 : i32
    scf.for %scan3A_88 = %scan3A_9 to %scan3A_11 step %scan3A_12  : i32 {
      %mul3A_89 = arith.constant 1 : i32
      %mul3A_90 = arith.muli %scan3A_88, %mul3A_89 : i32
      %add3A_91 = arith.constant 0 : i32
      %add3A_92 = arith.addi %add3A_91, %mul3A_90 : i32
      %mul3A_93 = arith.constant 16 : i32
      %mul3A_94 = arith.muli %add3A_92, %mul3A_93 : i32
      %multiple_of3A_95 = tpu.assume_multiple %mul3A_94, 8 : i32
      %get3A_96 = arith.index_cast %multiple_of3A_95 : i32 to index
      %get3A_97 = tpu.vector_load %arg7[%get3A_96] {strides = array<i32>} : memref<10256xi32, #tpu.memory_space<vmem>>, vector<16xi32>,
      %shift_right_logical3A = arith.constant 1 : i32
      %shift_right_logical3A_98 = vector.broadcast %shift_right_logical3A : i32 to vector<16xi32>
      %shift_right_logical3A_99 = arith.shrui %get3A_97, %shift_right_logical3A_98 : vector<16xi32>
      %swap3A = arith.index_cast %multiple_of3A_95 : i32 to index
      %swap3A_100 = tpu.vector_load %arg8[%swap3A] {strides = array<i32>} : memref<10240xi32, #tpu.memory_space<vmem>>, vector<16xi32>,
      tpu.vector_store %arg8[%swap3A], %shift_right_logical3A_99 {strides = array<i32>} : memref<10240xi32, #tpu.memory_space<vmem>>, vector<16xi32>,
    }
    %scan3A_13 = arith.constant 640 : i32
    %barrier3A = arith.constant 0 : index
    tpu.barrier barrier_id(%barrier3A)
    %get3A = arith.constant 0 : index
    %get3A_14 = tpu.vector_load %arg10[%get3A] {strides = array<i32>} : memref<128xf32, #tpu.memory_space<vmem>>, vector<16xf32>,
    %get3A_15 = arith.constant 16 : index
    %get3A_16 = tpu.vector_load %arg10[%get3A_15] {strides = array<i32>} : memref<128xf32, #tpu.memory_space<vmem>>, vector<16xf32>,
    %get3A_17 = arith.constant 32 : index
    %get3A_18 = tpu.vector_load %arg10[%get3A_17] {strides = array<i32>} : memref<128xf32, #tpu.memory_space<vmem>>, vector<16xf32>,
    %get3A_19 = arith.constant 48 : index
    %get3A_20 = tpu.vector_load %arg10[%get3A_19] {strides = array<i32>} : memref<128xf32, #tpu.memory_space<vmem>>, vector<16xf32>,
    %get3A_21 = arith.constant 64 : index
    %get3A_22 = tpu.vector_load %arg10[%get3A_21] {strides = array<i32>} : memref<128xf32, #tpu.memory_space<vmem>>, vector<16xf32>,
    %get3A_23 = arith.constant 80 : index
    %get3A_24 = tpu.vector_load %arg10[%get3A_23] {strides = array<i32>} : memref<128xf32, #tpu.memory_space<vmem>>, vector<16xf32>,
    %get3A_25 = arith.constant 96 : index
    %get3A_26 = tpu.vector_load %arg10[%get3A_25] {strides = array<i32>} : memref<128xf32, #tpu.memory_space<vmem>>, vector<16xf32>,
    %get3A_27 = arith.constant 112 : index
    %get3A_28 = tpu.vector_load %arg10[%get3A_27] {strides = array<i32>} : memref<128xf32, #tpu.memory_space<vmem>>, vector<16xf32>,
    %iota3A = tpu.iota {dimensions = array<i32: 0>} : vector<16xi32>
    %broadcast_in_dim3A = arith.constant 0.000000e+00 : f32
    %broadcast_in_dim3A_29 = vector.broadcast %broadcast_in_dim3A : f32 to vector<16xf32>
    %multiple_of3A = arith.constant 0 : i32
    %multiple_of3A_30 = tpu.assume_multiple %multiple_of3A, 8 : i32
    %dma_start3A = arith.constant 0 : i32
    %dma_start3A_31 = arith.constant 0 : i32
    %dma_start3A_32 = arith.constant 0 : i32
    %dma_start3A_33 = tpu.memref_slice %arg11[%dma_start3A, %dma_start3A_31, %dma_start3A_32] : memref<2x128x128xi32, #tpu.memory_space<vmem>> -> memref<1x128x128xi32, #tpu.memory_space<vmem>>
    %dma_start3A_34 = tpu.memref_squeeze %dma_start3A_33 : memref<1x128x128xi32, #tpu.memory_space<vmem>> -> memref<128x128xi32, #tpu.memory_space<vmem>>
    %dma_start3A_35 = tpu.memref_slice %arg8[%multiple_of3A_30] : memref<10240xi32, #tpu.memory_space<vmem>> -> memref<128xi32, #tpu.memory_space<vmem>>
    %dma_start3A_36 = arith.constant 0 : i32
    %dma_start3A_37 = arith.constant 0 : i32
    %dma_start3A_38 = tpu.memref_slice %arg15[%dma_start3A_36, %dma_start3A_37] : memref<5120x128xi32, #tpu.memory_space<vmem_shared>> -> memref<5120x128xi32, #tpu.memory_space<vmem_shared>>
    tpu.enqueue_indirect_dma source(%dma_start3A_38 : memref<5120x128xi32, #tpu.memory_space<vmem_shared>>) target(%dma_start3A_34 : memref<128x128xi32, #tpu.memory_space<vmem>>) offsets(%dma_start3A_35 : memref<128xi32, #tpu.memory_space<vmem>>) semaphore(%arg16 : memref<!tpu.dma_semaphore, #tpu.memory_space<semaphore_mem>>)
    %add3A_39 = arith.constant 0 : i32
    %add3A_40 = arith.addi %mul3A_2, %add3A_39 : i32
    %dma_start3A_41 = arith.constant 0 : i32
    %dma_start3A_42 = arith.constant 0 : i32
    %dma_start3A_43 = arith.constant 0 : i32
    %dma_start3A_44 = tpu.memref_slice %arg9[%dma_start3A_41, %dma_start3A_42, %dma_start3A_43] : memref<2x4x128xf32, #tpu.memory_space<vmem>> -> memref<1x4x128xf32, #tpu.memory_space<vmem>>
    %dma_start3A_45 = tpu.memref_squeeze %dma_start3A_44 : memref<1x4x128xf32, #tpu.memory_space<vmem>> -> memref<4x128xf32, #tpu.memory_space<vmem>>
    %dma_start3A_46 = arith.constant 0 : i32
    %dma_start3A_47 = tpu.memref_slice %arg4[%add3A_40, %dma_start3A_46] : memref<10240x128xf32, #tpu.memory_space<hbm>> -> memref<4x128xf32, #tpu.memory_space<hbm>>
    %dma_start3A_48 = arith.constant 0 : i32
    %dma_start3A_49 = arith.constant 0 : i32
    %dma_start3A_50 = tpu.memref_slice %arg9[%dma_start3A_41, %dma_start3A_48, %dma_start3A_49] : memref<2x4x128xf32, #tpu.memory_space<vmem>> -> memref<1x4x128xf32, #tpu.memory_space<vmem>>
    %dma_start3A_51 = tpu.memref_squeeze %dma_start3A_50 : memref<1x4x128xf32, #tpu.memory_space<vmem>> -> memref<4x128xf32, #tpu.memory_space<vmem>>
    %dma_start3A_52 = arith.constant 0 : i32
    %dma_start3A_53 = tpu.memref_slice %arg4[%add3A_40, %dma_start3A_52] : memref<10240x128xf32, #tpu.memory_space<hbm>> -> memref<4x128xf32, #tpu.memory_space<hbm>>
    tpu.enqueue_dma source(%dma_start3A_53 : memref<4x128xf32, #tpu.memory_space<hbm>>) target(%dma_start3A_51 : memref<4x128xf32, #tpu.memory_space<vmem>>) target_semaphore(%arg20 : memref<!tpu.dma_semaphore, #tpu.memory_space<semaphore_mem>>)
    %scan3A_54 = arith.constant 0 : i32
    %scan3A_55 = arith.constant 40 : i32
    %scan3A_56 = arith.addi %scan3A_54, %scan3A_55 : i32
    %scan3A_57 = arith.constant 1 : i32
    scf.for %scan3A_88 = %scan3A_54 to %scan3A_56 step %scan3A_57  : i32 {
      %mul3A_89 = arith.constant 2 : i32
      %mul3A_90 = arith.muli %scan3A_88, %mul3A_89 : i32
      %add3A_91 = arith.constant 0 : i32
      %add3A_92 = arith.addi %add3A_91, %mul3A_90 : i32
      %add3A_93 = arith.constant 0 : i32
      %add3A_94 = arith.addi %add3A_92, %add3A_93 : i32
      %mul3A_95 = arith.constant 128 : i32
      %mul3A_96 = arith.muli %add3A_94, %mul3A_95 : i32
      %multiple_of3A_97 = tpu.assume_multiple %mul3A_96, 8 : i32
      %dma_wait3A_98 = arith.constant 0 : i32
      %dma_wait3A_99 = arith.constant 0 : i32
      %dma_wait3A_100 = arith.constant 0 : i32
      %dma_wait3A_101 = tpu.memref_slice %arg11[%dma_wait3A_98, %dma_wait3A_99, %dma_wait3A_100] : memref<2x128x128xi32, #tpu.memory_space<vmem>> -> memref<1x128x128xi32, #tpu.memory_space<vmem>>
      %dma_wait3A_102 = tpu.memref_squeeze %dma_wait3A_101 : memref<1x128x128xi32, #tpu.memory_space<vmem>> -> memref<128x128xi32, #tpu.memory_space<vmem>>
      %dma_wait3A_103 = tpu.memref_slice %arg8[%multiple_of3A_97] : memref<10240xi32, #tpu.memory_space<vmem>> -> memref<128xi32, #tpu.memory_space<vmem>>
      %dma_wait3A_104 = arith.constant 0 : i32
      %dma_wait3A_105 = arith.constant 0 : i32
      %dma_wait3A_106 = tpu.memref_slice %arg15[%dma_wait3A_104, %dma_wait3A_105] : memref<5120x128xi32, #tpu.memory_space<vmem_shared>> -> memref<5120x128xi32, #tpu.memory_space<vmem_shared>>
      tpu.wait_indirect_dma semaphore(%arg16 : memref<!tpu.dma_semaphore, #tpu.memory_space<semaphore_mem>>) src(%dma_wait3A_106 : memref<5120x128xi32, #tpu.memory_space<vmem_shared>>) dst(%dma_wait3A_102 : memref<128x128xi32, #tpu.memory_space<vmem>>)
      %mul3A_107 = arith.constant 4 : i32
      %mul3A_108 = arith.muli %add3A_94, %mul3A_107 : i32
      %add3A_109 = arith.addi %mul3A_2, %mul3A_108 : i32
      %dma_wait3A_110 = arith.constant 0 : i32
      %dma_wait3A_111 = arith.constant 0 : i32
      %dma_wait3A_112 = arith.constant 0 : i32
      %dma_wait3A_113 = tpu.memref_slice %arg9[%dma_wait3A_110, %dma_wait3A_111, %dma_wait3A_112] : memref<2x4x128xf32, #tpu.memory_space<vmem>> -> memref<1x4x128xf32, #tpu.memory_space<vmem>>
      %dma_wait3A_114 = tpu.memref_squeeze %dma_wait3A_113 : memref<1x4x128xf32, #tpu.memory_space<vmem>> -> memref<4x128xf32, #tpu.memory_space<vmem>>
      %dma_wait3A_115 = arith.constant 0 : i32
      %dma_wait3A_116 = tpu.memref_slice %arg4[%add3A_109, %dma_wait3A_115] : memref<10240x128xf32, #tpu.memory_space<hbm>> -> memref<4x128xf32, #tpu.memory_space<hbm>>
      %dma_wait3A_117 = arith.constant 0 : i32
      %dma_wait3A_118 = arith.constant 0 : i32
      %dma_wait3A_119 = tpu.memref_slice %arg9[%dma_wait3A_110, %dma_wait3A_117, %dma_wait3A_118] : memref<2x4x128xf32, #tpu.memory_space<vmem>> -> memref<1x4x128xf32, #tpu.memory_space<vmem>>
      %dma_wait3A_120 = tpu.memref_squeeze %dma_wait3A_119 : memref<1x4x128xf32, #tpu.memory_space<vmem>> -> memref<4x128xf32, #tpu.memory_space<vmem>>
      %dma_wait3A_121 = arith.constant 0 : i32
      %dma_wait3A_122 = tpu.memref_slice %arg4[%add3A_109, %dma_wait3A_121] : memref<10240x128xf32, #tpu.memory_space<hbm>> -> memref<4x128xf32, #tpu.memory_space<hbm>>
      tpu.wait_dma2 semaphore(%arg20 : memref<!tpu.dma_semaphore, #tpu.memory_space<semaphore_mem>>) src(%dma_wait3A_122 : memref<4x128xf32, #tpu.memory_space<hbm>>) dst(%dma_wait3A_120 : memref<4x128xf32, #tpu.memory_space<vmem>>)
      %add3A_123 = arith.constant 1 : i32
      %add3A_124 = arith.addi %add3A_94, %add3A_123 : i32
      %lt3A = arith.constant 80 : i32
      %lt3A_125 = arith.cmpi slt, %add3A_124, %lt3A : i32
      %convert_element_type3A = arith.extui %lt3A_125 : i1 to i32
      %cond3A = arith.constant 0 : i32
      %cond3A_126 = arith.cmpi ne, %convert_element_type3A, %cond3A : i32
      scf.if %cond3A_126 {
        %add3A_205 = arith.constant 1 : i32
        %add3A_206 = arith.addi %add3A_94, %add3A_205 : i32
        %mul3A_207 = arith.constant 128 : i32
        %mul3A_208 = arith.muli %add3A_206, %mul3A_207 : i32
        %multiple_of3A_209 = tpu.assume_multiple %mul3A_208, 8 : i32
        %dma_start3A_210 = arith.constant 1 : i32
        %dma_start3A_211 = arith.constant 0 : i32
        %dma_start3A_212 = arith.constant 0 : i32
        %dma_start3A_213 = tpu.memref_slice %arg11[%dma_start3A_210, %dma_start3A_211, %dma_start3A_212] : memref<2x128x128xi32, #tpu.memory_space<vmem>> -> memref<1x128x128xi32, #tpu.memory_space<vmem>>
        %dma_start3A_214 = tpu.memref_squeeze %dma_start3A_213 : memref<1x128x128xi32, #tpu.memory_space<vmem>> -> memref<128x128xi32, #tpu.memory_space<vmem>>
        %dma_start3A_215 = tpu.memref_slice %arg8[%multiple_of3A_209] : memref<10240xi32, #tpu.memory_space<vmem>> -> memref<128xi32, #tpu.memory_space<vmem>>
        %dma_start3A_216 = arith.constant 0 : i32
        %dma_start3A_217 = arith.constant 0 : i32
        %dma_start3A_218 = tpu.memref_slice %arg15[%dma_start3A_216, %dma_start3A_217] : memref<5120x128xi32, #tpu.memory_space<vmem_shared>> -> memref<5120x128xi32, #tpu.memory_space<vmem_shared>>
        tpu.enqueue_indirect_dma source(%dma_start3A_218 : memref<5120x128xi32, #tpu.memory_space<vmem_shared>>) target(%dma_start3A_214 : memref<128x128xi32, #tpu.memory_space<vmem>>) offsets(%dma_start3A_215 : memref<128xi32, #tpu.memory_space<vmem>>) semaphore(%arg17 : memref<!tpu.dma_semaphore, #tpu.memory_space<semaphore_mem>>)
        %add3A_219 = arith.constant 1 : i32
        %add3A_220 = arith.addi %add3A_94, %add3A_219 : i32
        %mul3A_221 = arith.constant 4 : i32
        %mul3A_222 = arith.muli %add3A_220, %mul3A_221 : i32
        %add3A_223 = arith.addi %mul3A_2, %mul3A_222 : i32
        %dma_start3A_224 = arith.constant 1 : i32
        %dma_start3A_225 = arith.constant 0 : i32
        %dma_start3A_226 = arith.constant 0 : i32
        %dma_start3A_227 = tpu.memref_slice %arg9[%dma_start3A_224, %dma_start3A_225, %dma_start3A_226] : memref<2x4x128xf32, #tpu.memory_space<vmem>> -> memref<1x4x128xf32, #tpu.memory_space<vmem>>
        %dma_start3A_228 = tpu.memref_squeeze %dma_start3A_227 : memref<1x4x128xf32, #tpu.memory_space<vmem>> -> memref<4x128xf32, #tpu.memory_space<vmem>>
        %dma_start3A_229 = arith.constant 0 : i32
        %dma_start3A_230 = tpu.memref_slice %arg4[%add3A_223, %dma_start3A_229] : memref<10240x128xf32, #tpu.memory_space<hbm>> -> memref<4x128xf32, #tpu.memory_space<hbm>>
        %dma_start3A_231 = arith.constant 0 : i32
        %dma_start3A_232 = arith.constant 0 : i32
        %dma_start3A_233 = tpu.memref_slice %arg9[%dma_start3A_224, %dma_start3A_231, %dma_start3A_232] : memref<2x4x128xf32, #tpu.memory_space<vmem>> -> memref<1x4x128xf32, #tpu.memory_space<vmem>>
        %dma_start3A_234 = tpu.memref_squeeze %dma_start3A_233 : memref<1x4x128xf32, #tpu.memory_space<vmem>> -> memref<4x128xf32, #tpu.memory_space<vmem>>
        %dma_start3A_235 = arith.constant 0 : i32
        %dma_start3A_236 = tpu.memref_slice %arg4[%add3A_223, %dma_start3A_235] : memref<10240x128xf32, #tpu.memory_space<hbm>> -> memref<4x128xf32, #tpu.memory_space<hbm>>
        tpu.enqueue_dma source(%dma_start3A_236 : memref<4x128xf32, #tpu.memory_space<hbm>>) target(%dma_start3A_234 : memref<4x128xf32, #tpu.memory_space<vmem>>) target_semaphore(%arg21 : memref<!tpu.dma_semaphore, #tpu.memory_space<semaphore_mem>>)
      } else {
      }
      %ge3A = arith.constant 2 : i32
      %ge3A_127 = arith.cmpi sge, %add3A_94, %ge3A : i32
      %convert_element_type3A_128 = arith.extui %ge3A_127 : i1 to i32
      %cond3A_129 = arith.constant 0 : i32
      %cond3A_130 = arith.cmpi ne, %convert_element_type3A_128, %cond3A_129 : i32
      scf.if %cond3A_130 {
        %sub3A = arith.constant 2 : i32
        %sub3A_205 = arith.subi %add3A_94, %sub3A : i32
        %mul3A_206 = arith.constant 4 : i32
        %mul3A_207 = arith.muli %sub3A_205, %mul3A_206 : i32
        %add3A_208 = arith.addi %mul3A_2, %mul3A_207 : i32
        %dma_wait3A_209 = arith.constant 0 : i32
        %dma_wait3A_210 = arith.constant 0 : i32
        %dma_wait3A_211 = arith.constant 0 : i32
        %dma_wait3A_212 = tpu.memref_slice %arg12[%dma_wait3A_209, %dma_wait3A_210, %dma_wait3A_211] : memref<2x4x128xf32, #tpu.memory_space<vmem>> -> memref<1x4x128xf32, #tpu.memory_space<vmem>>
        %dma_wait3A_213 = tpu.memref_squeeze %dma_wait3A_212 : memref<1x4x128xf32, #tpu.memory_space<vmem>> -> memref<4x128xf32, #tpu.memory_space<vmem>>
        %dma_wait3A_214 = arith.constant 0 : i32
        %dma_wait3A_215 = tpu.memref_slice %arg6[%add3A_208, %dma_wait3A_214] : memref<10240x128xf32, #tpu.memory_space<hbm>> -> memref<4x128xf32, #tpu.memory_space<hbm>>
        %dma_wait3A_216 = arith.constant 0 : i32
        %dma_wait3A_217 = tpu.memref_slice %arg6[%add3A_208, %dma_wait3A_216] : memref<10240x128xf32, #tpu.memory_space<hbm>> -> memref<4x128xf32, #tpu.memory_space<hbm>>
        %dma_wait3A_218 = arith.constant 0 : i32
        %dma_wait3A_219 = arith.constant 0 : i32
        %dma_wait3A_220 = tpu.memref_slice %arg12[%dma_wait3A_209, %dma_wait3A_218, %dma_wait3A_219] : memref<2x4x128xf32, #tpu.memory_space<vmem>> -> memref<1x4x128xf32, #tpu.memory_space<vmem>>
        %dma_wait3A_221 = tpu.memref_squeeze %dma_wait3A_220 : memref<1x4x128xf32, #tpu.memory_space<vmem>> -> memref<4x128xf32, #tpu.memory_space<vmem>>
        tpu.wait_dma2 semaphore(%arg18 : memref<!tpu.dma_semaphore, #tpu.memory_space<semaphore_mem>>) src(%dma_wait3A_221 : memref<4x128xf32, #tpu.memory_space<vmem>>) dst(%dma_wait3A_217 : memref<4x128xf32, #tpu.memory_space<hbm>>)
      } else {
      }
      %mul3A_131 = arith.constant 4 : i32
      %mul3A_132 = arith.muli %add3A_94, %mul3A_131 : i32
      %add3A_133 = arith.addi %mul3A_2, %mul3A_132 : i32
      %dma_start3A_134 = arith.constant 0 : i32
      %dma_start3A_135 = arith.constant 0 : i32
      %dma_start3A_136 = arith.constant 0 : i32
      %dma_start3A_137 = tpu.memref_slice %arg12[%dma_start3A_134, %dma_start3A_135, %dma_start3A_136] : memref<2x4x128xf32, #tpu.memory_space<vmem>> -> memref<1x4x128xf32, #tpu.memory_space<vmem>>
      %dma_start3A_138 = tpu.memref_squeeze %dma_start3A_137 : memref<1x4x128xf32, #tpu.memory_space<vmem>> -> memref<4x128xf32, #tpu.memory_space<vmem>>
      %dma_start3A_139 = arith.constant 0 : i32
      %dma_start3A_140 = tpu.memref_slice %arg6[%add3A_133, %dma_start3A_139] : memref<10240x128xf32, #tpu.memory_space<hbm>> -> memref<4x128xf32, #tpu.memory_space<hbm>>
      %dma_start3A_141 = arith.constant 0 : i32
      %dma_start3A_142 = tpu.memref_slice %arg6[%add3A_133, %dma_start3A_141] : memref<10240x128xf32, #tpu.memory_space<hbm>> -> memref<4x128xf32, #tpu.memory_space<hbm>>
      %dma_start3A_143 = arith.constant 0 : i32
      %dma_start3A_144 = arith.constant 0 : i32
      %dma_start3A_145 = tpu.memref_slice %arg12[%dma_start3A_134, %dma_start3A_143, %dma_start3A_144] : memref<2x4x128xf32, #tpu.memory_space<vmem>> -> memref<1x4x128xf32, #tpu.memory_space<vmem>>
      %dma_start3A_146 = tpu.memref_squeeze %dma_start3A_145 : memref<1x4x128xf32, #tpu.memory_space<vmem>> -> memref<4x128xf32, #tpu.memory_space<vmem>>
      tpu.enqueue_dma source(%dma_start3A_146 : memref<4x128xf32, #tpu.memory_space<vmem>>) target(%dma_start3A_142 : memref<4x128xf32, #tpu.memory_space<hbm>>) target_semaphore(%arg18 : memref<!tpu.dma_semaphore, #tpu.memory_space<semaphore_mem>>)
      %add3A_147 = arith.constant 1 : i32
      %add3A_148 = arith.addi %add3A_92, %add3A_147 : i32
      %mul3A_149 = arith.constant 128 : i32
      %mul3A_150 = arith.muli %add3A_148, %mul3A_149 : i32
      %multiple_of3A_151 = tpu.assume_multiple %mul3A_150, 8 : i32
      %dma_wait3A_152 = arith.constant 1 : i32
      %dma_wait3A_153 = arith.constant 0 : i32
      %dma_wait3A_154 = arith.constant 0 : i32
      %dma_wait3A_155 = tpu.memref_slice %arg11[%dma_wait3A_152, %dma_wait3A_153, %dma_wait3A_154] : memref<2x128x128xi32, #tpu.memory_space<vmem>> -> memref<1x128x128xi32, #tpu.memory_space<vmem>>
      %dma_wait3A_156 = tpu.memref_squeeze %dma_wait3A_155 : memref<1x128x128xi32, #tpu.memory_space<vmem>> -> memref<128x128xi32, #tpu.memory_space<vmem>>
      %dma_wait3A_157 = tpu.memref_slice %arg8[%multiple_of3A_151] : memref<10240xi32, #tpu.memory_space<vmem>> -> memref<128xi32, #tpu.memory_space<vmem>>
      %dma_wait3A_158 = arith.constant 0 : i32
      %dma_wait3A_159 = arith.constant 0 : i32
      %dma_wait3A_160 = tpu.memref_slice %arg15[%dma_wait3A_158, %dma_wait3A_159] : memref<5120x128xi32, #tpu.memory_space<vmem_shared>> -> memref<5120x128xi32, #tpu.memory_space<vmem_shared>>
      tpu.wait_indirect_dma semaphore(%arg17 : memref<!tpu.dma_semaphore, #tpu.memory_space<semaphore_mem>>) src(%dma_wait3A_160 : memref<5120x128xi32, #tpu.memory_space<vmem_shared>>) dst(%dma_wait3A_156 : memref<128x128xi32, #tpu.memory_space<vmem>>)
      %mul3A_161 = arith.constant 4 : i32
      %mul3A_162 = arith.muli %add3A_148, %mul3A_161 : i32
      %add3A_163 = arith.addi %mul3A_2, %mul3A_162 : i32
      %dma_wait3A_164 = arith.constant 1 : i32
      %dma_wait3A_165 = arith.constant 0 : i32
      %dma_wait3A_166 = arith.constant 0 : i32
      %dma_wait3A_167 = tpu.memref_slice %arg9[%dma_wait3A_164, %dma_wait3A_165, %dma_wait3A_166] : memref<2x4x128xf32, #tpu.memory_space<vmem>> -> memref<1x4x128xf32, #tpu.memory_space<vmem>>
      %dma_wait3A_168 = tpu.memref_squeeze %dma_wait3A_167 : memref<1x4x128xf32, #tpu.memory_space<vmem>> -> memref<4x128xf32, #tpu.memory_space<vmem>>
      %dma_wait3A_169 = arith.constant 0 : i32
      %dma_wait3A_170 = tpu.memref_slice %arg4[%add3A_163, %dma_wait3A_169] : memref<10240x128xf32, #tpu.memory_space<hbm>> -> memref<4x128xf32, #tpu.memory_space<hbm>>
      %dma_wait3A_171 = arith.constant 0 : i32
      %dma_wait3A_172 = arith.constant 0 : i32
      %dma_wait3A_173 = tpu.memref_slice %arg9[%dma_wait3A_164, %dma_wait3A_171, %dma_wait3A_172] : memref<2x4x128xf32, #tpu.memory_space<vmem>> -> memref<1x4x128xf32, #tpu.memory_space<vmem>>
      %dma_wait3A_174 = tpu.memref_squeeze %dma_wait3A_173 : memref<1x4x128xf32, #tpu.memory_space<vmem>> -> memref<4x128xf32, #tpu.memory_space<vmem>>
      %dma_wait3A_175 = arith.constant 0 : i32
      %dma_wait3A_176 = tpu.memref_slice %arg4[%add3A_163, %dma_wait3A_175] : memref<10240x128xf32, #tpu.memory_space<hbm>> -> memref<4x128xf32, #tpu.memory_space<hbm>>
      tpu.wait_dma2 semaphore(%arg21 : memref<!tpu.dma_semaphore, #tpu.memory_space<semaphore_mem>>) src(%dma_wait3A_176 : memref<4x128xf32, #tpu.memory_space<hbm>>) dst(%dma_wait3A_174 : memref<4x128xf32, #tpu.memory_space<vmem>>)
      %add3A_177 = arith.constant 1 : i32
      %add3A_178 = arith.addi %add3A_148, %add3A_177 : i32
      %lt3A_179 = arith.constant 80 : i32
      %lt3A_180 = arith.cmpi slt, %add3A_178, %lt3A_179 : i32
      %convert_element_type3A_181 = arith.extui %lt3A_180 : i1 to i32
      %cond3A_182 = arith.constant 0 : i32
      %cond3A_183 = arith.cmpi ne, %convert_element_type3A_181, %cond3A_182 : i32
      scf.if %cond3A_183 {
        %add3A_205 = arith.constant 1 : i32
        %add3A_206 = arith.addi %add3A_148, %add3A_205 : i32
        %mul3A_207 = arith.constant 128 : i32
        %mul3A_208 = arith.muli %add3A_206, %mul3A_207 : i32
        %multiple_of3A_209 = tpu.assume_multiple %mul3A_208, 8 : i32
        %dma_start3A_210 = arith.constant 0 : i32
        %dma_start3A_211 = arith.constant 0 : i32
        %dma_start3A_212 = arith.constant 0 : i32
        %dma_start3A_213 = tpu.memref_slice %arg11[%dma_start3A_210, %dma_start3A_211, %dma_start3A_212] : memref<2x128x128xi32, #tpu.memory_space<vmem>> -> memref<1x128x128xi32, #tpu.memory_space<vmem>>
        %dma_start3A_214 = tpu.memref_squeeze %dma_start3A_213 : memref<1x128x128xi32, #tpu.memory_space<vmem>> -> memref<128x128xi32, #tpu.memory_space<vmem>>
        %dma_start3A_215 = tpu.memref_slice %arg8[%multiple_of3A_209] : memref<10240xi32, #tpu.memory_space<vmem>> -> memref<128xi32, #tpu.memory_space<vmem>>
        %dma_start3A_216 = arith.constant 0 : i32
        %dma_start3A_217 = arith.constant 0 : i32
        %dma_start3A_218 = tpu.memref_slice %arg15[%dma_start3A_216, %dma_start3A_217] : memref<5120x128xi32, #tpu.memory_space<vmem_shared>> -> memref<5120x128xi32, #tpu.memory_space<vmem_shared>>
        tpu.enqueue_indirect_dma source(%dma_start3A_218 : memref<5120x128xi32, #tpu.memory_space<vmem_shared>>) target(%dma_start3A_214 : memref<128x128xi32, #tpu.memory_space<vmem>>) offsets(%dma_start3A_215 : memref<128xi32, #tpu.memory_space<vmem>>) semaphore(%arg16 : memref<!tpu.dma_semaphore, #tpu.memory_space<semaphore_mem>>)
        %add3A_219 = arith.constant 1 : i32
        %add3A_220 = arith.addi %add3A_148, %add3A_219 : i32
        %mul3A_221 = arith.constant 4 : i32
        %mul3A_222 = arith.muli %add3A_220, %mul3A_221 : i32
        %add3A_223 = arith.addi %mul3A_2, %mul3A_222 : i32
        %dma_start3A_224 = arith.constant 0 : i32
        %dma_start3A_225 = arith.constant 0 : i32
        %dma_start3A_226 = arith.constant 0 : i32
        %dma_start3A_227 = tpu.memref_slice %arg9[%dma_start3A_224, %dma_start3A_225, %dma_start3A_226] : memref<2x4x128xf32, #tpu.memory_space<vmem>> -> memref<1x4x128xf32, #tpu.memory_space<vmem>>
        %dma_start3A_228 = tpu.memref_squeeze %dma_start3A_227 : memref<1x4x128xf32, #tpu.memory_space<vmem>> -> memref<4x128xf32, #tpu.memory_space<vmem>>
        %dma_start3A_229 = arith.constant 0 : i32
        %dma_start3A_230 = tpu.memref_slice %arg4[%add3A_223, %dma_start3A_229] : memref<10240x128xf32, #tpu.memory_space<hbm>> -> memref<4x128xf32, #tpu.memory_space<hbm>>
        %dma_start3A_231 = arith.constant 0 : i32
        %dma_start3A_232 = arith.constant 0 : i32
        %dma_start3A_233 = tpu.memref_slice %arg9[%dma_start3A_224, %dma_start3A_231, %dma_start3A_232] : memref<2x4x128xf32, #tpu.memory_space<vmem>> -> memref<1x4x128xf32, #tpu.memory_space<vmem>>
        %dma_start3A_234 = tpu.memref_squeeze %dma_start3A_233 : memref<1x4x128xf32, #tpu.memory_space<vmem>> -> memref<4x128xf32, #tpu.memory_space<vmem>>
        %dma_start3A_235 = arith.constant 0 : i32
        %dma_start3A_236 = tpu.memref_slice %arg4[%add3A_223, %dma_start3A_235] : memref<10240x128xf32, #tpu.memory_space<hbm>> -> memref<4x128xf32, #tpu.memory_space<hbm>>
        tpu.enqueue_dma source(%dma_start3A_236 : memref<4x128xf32, #tpu.memory_space<hbm>>) target(%dma_start3A_234 : memref<4x128xf32, #tpu.memory_space<vmem>>) target_semaphore(%arg20 : memref<!tpu.dma_semaphore, #tpu.memory_space<semaphore_mem>>)
      } else {
      }
      %ge3A_184 = arith.constant 2 : i32
      %ge3A_185 = arith.cmpi sge, %add3A_148, %ge3A_184 : i32
      %convert_element_type3A_186 = arith.extui %ge3A_185 : i1 to i32
      %cond3A_187 = arith.constant 0 : i32
      %cond3A_188 = arith.cmpi ne, %convert_element_type3A_186, %cond3A_187 : i32
      scf.if %cond3A_188 {
        %sub3A = arith.constant 2 : i32
        %sub3A_205 = arith.subi %add3A_148, %sub3A : i32
        %mul3A_206 = arith.constant 4 : i32
        %mul3A_207 = arith.muli %sub3A_205, %mul3A_206 : i32
        %add3A_208 = arith.addi %mul3A_2, %mul3A_207 : i32
        %dma_wait3A_209 = arith.constant 1 : i32
        %dma_wait3A_210 = arith.constant 0 : i32
        %dma_wait3A_211 = arith.constant 0 : i32
        %dma_wait3A_212 = tpu.memref_slice %arg12[%dma_wait3A_209, %dma_wait3A_210, %dma_wait3A_211] : memref<2x4x128xf32, #tpu.memory_space<vmem>> -> memref<1x4x128xf32, #tpu.memory_space<vmem>>
        %dma_wait3A_213 = tpu.memref_squeeze %dma_wait3A_212 : memref<1x4x128xf32, #tpu.memory_space<vmem>> -> memref<4x128xf32, #tpu.memory_space<vmem>>
        %dma_wait3A_214 = arith.constant 0 : i32
        %dma_wait3A_215 = tpu.memref_slice %arg6[%add3A_208, %dma_wait3A_214] : memref<10240x128xf32, #tpu.memory_space<hbm>> -> memref<4x128xf32, #tpu.memory_space<hbm>>
        %dma_wait3A_216 = arith.constant 0 : i32
        %dma_wait3A_217 = tpu.memref_slice %arg6[%add3A_208, %dma_wait3A_216] : memref<10240x128xf32, #tpu.memory_space<hbm>> -> memref<4x128xf32, #tpu.memory_space<hbm>>
        %dma_wait3A_218 = arith.constant 0 : i32
        %dma_wait3A_219 = arith.constant 0 : i32
        %dma_wait3A_220 = tpu.memref_slice %arg12[%dma_wait3A_209, %dma_wait3A_218, %dma_wait3A_219] : memref<2x4x128xf32, #tpu.memory_space<vmem>> -> memref<1x4x128xf32, #tpu.memory_space<vmem>>
        %dma_wait3A_221 = tpu.memref_squeeze %dma_wait3A_220 : memref<1x4x128xf32, #tpu.memory_space<vmem>> -> memref<4x128xf32, #tpu.memory_space<vmem>>
        tpu.wait_dma2 semaphore(%arg19 : memref<!tpu.dma_semaphore, #tpu.memory_space<semaphore_mem>>) src(%dma_wait3A_221 : memref<4x128xf32, #tpu.memory_space<vmem>>) dst(%dma_wait3A_217 : memref<4x128xf32, #tpu.memory_space<hbm>>)
      } else {
      }
      %mul3A_189 = arith.constant 4 : i32
      %mul3A_190 = arith.muli %add3A_148, %mul3A_189 : i32
      %add3A_191 = arith.addi %mul3A_2, %mul3A_190 : i32
      %dma_start3A_192 = arith.constant 1 : i32
      %dma_start3A_193 = arith.constant 0 : i32
      %dma_start3A_194 = arith.constant 0 : i32
      %dma_start3A_195 = tpu.memref_slice %arg12[%dma_start3A_192, %dma_start3A_193, %dma_start3A_194] : memref<2x4x128xf32, #tpu.memory_space<vmem>> -> memref<1x4x128xf32, #tpu.memory_space<vmem>>
      %dma_start3A_196 = tpu.memref_squeeze %dma_start3A_195 : memref<1x4x128xf32, #tpu.memory_space<vmem>> -> memref<4x128xf32, #tpu.memory_space<vmem>>
      %dma_start3A_197 = arith.constant 0 : i32
      %dma_start3A_198 = tpu.memref_slice %arg6[%add3A_191, %dma_start3A_197] : memref<10240x128xf32, #tpu.memory_space<hbm>> -> memref<4x128xf32, #tpu.memory_space<hbm>>
      %dma_start3A_199 = arith.constant 0 : i32
      %dma_start3A_200 = tpu.memref_slice %arg6[%add3A_191, %dma_start3A_199] : memref<10240x128xf32, #tpu.memory_space<hbm>> -> memref<4x128xf32, #tpu.memory_space<hbm>>
      %dma_start3A_201 = arith.constant 0 : i32
      %dma_start3A_202 = arith.constant 0 : i32
      %dma_start3A_203 = tpu.memref_slice %arg12[%dma_start3A_192, %dma_start3A_201, %dma_start3A_202] : memref<2x4x128xf32, #tpu.memory_space<vmem>> -> memref<1x4x128xf32, #tpu.memory_space<vmem>>
      %dma_start3A_204 = tpu.memref_squeeze %dma_start3A_203 : memref<1x4x128xf32, #tpu.memory_space<vmem>> -> memref<4x128xf32, #tpu.memory_space<vmem>>
      tpu.enqueue_dma source(%dma_start3A_204 : memref<4x128xf32, #tpu.memory_space<vmem>>) target(%dma_start3A_200 : memref<4x128xf32, #tpu.memory_space<hbm>>) target_semaphore(%arg19 : memref<!tpu.dma_semaphore, #tpu.memory_space<semaphore_mem>>)
    }
    %scan3A_58 = arith.constant 40 : i32
    %add3A_59 = arith.constant 312 : i32
    %add3A_60 = arith.addi %mul3A_2, %add3A_59 : i32
    %dma_wait3A = arith.constant 0 : i32
    %dma_wait3A_61 = arith.constant 0 : i32
    %dma_wait3A_62 = arith.constant 0 : i32
    %dma_wait3A_63 = tpu.memref_slice %arg12[%dma_wait3A, %dma_wait3A_61, %dma_wait3A_62] : memref<2x4x128xf32, #tpu.memory_space<vmem>> -> memref<1x4x128xf32, #tpu.memory_space<vmem>>
    %dma_wait3A_64 = tpu.memref_squeeze %dma_wait3A_63 : memref<1x4x128xf32, #tpu.memory_space<vmem>> -> memref<4x128xf32, #tpu.memory_space<vmem>>
    %dma_wait3A_65 = arith.constant 0 : i32
    %dma_wait3A_66 = tpu.memref_slice %arg6[%add3A_60, %dma_wait3A_65] : memref<10240x128xf32, #tpu.memory_space<hbm>> -> memref<4x128xf32, #tpu.memory_space<hbm>>
    %dma_wait3A_67 = arith.constant 0 : i32
    %dma_wait3A_68 = tpu.memref_slice %arg6[%add3A_60, %dma_wait3A_67] : memref<10240x128xf32, #tpu.memory_space<hbm>> -> memref<4x128xf32, #tpu.memory_space<hbm>>
    %dma_wait3A_69 = arith.constant 0 : i32
    %dma_wait3A_70 = arith.constant 0 : i32
    %dma_wait3A_71 = tpu.memref_slice %arg12[%dma_wait3A, %dma_wait3A_69, %dma_wait3A_70] : memref<2x4x128xf32, #tpu.memory_space<vmem>> -> memref<1x4x128xf32, #tpu.memory_space<vmem>>
    %dma_wait3A_72 = tpu.memref_squeeze %dma_wait3A_71 : memref<1x4x128xf32, #tpu.memory_space<vmem>> -> memref<4x128xf32, #tpu.memory_space<vmem>>
    tpu.wait_dma2 semaphore(%arg18 : memref<!tpu.dma_semaphore, #tpu.memory_space<semaphore_mem>>) src(%dma_wait3A_72 : memref<4x128xf32, #tpu.memory_space<vmem>>) dst(%dma_wait3A_68 : memref<4x128xf32, #tpu.memory_space<hbm>>)
    %add3A_73 = arith.constant 316 : i32
    %add3A_74 = arith.addi %mul3A_2, %add3A_73 : i32
    %dma_wait3A_75 = arith.constant 1 : i32
    %dma_wait3A_76 = arith.constant 0 : i32
    %dma_wait3A_77 = arith.constant 0 : i32
    %dma_wait3A_78 = tpu.memref_slice %arg12[%dma_wait3A_75, %dma_wait3A_76, %dma_wait3A_77] : memref<2x4x128xf32, #tpu.memory_space<vmem>> -> memref<1x4x128xf32, #tpu.memory_space<vmem>>
    %dma_wait3A_79 = tpu.memref_squeeze %dma_wait3A_78 : memref<1x4x128xf32, #tpu.memory_space<vmem>> -> memref<4x128xf32, #tpu.memory_space<vmem>>
    %dma_wait3A_80 = arith.constant 0 : i32
    %dma_wait3A_81 = tpu.memref_slice %arg6[%add3A_74, %dma_wait3A_80] : memref<10240x128xf32, #tpu.memory_space<hbm>> -> memref<4x128xf32, #tpu.memory_space<hbm>>
    %dma_wait3A_82 = arith.constant 0 : i32
    %dma_wait3A_83 = tpu.memref_slice %arg6[%add3A_74, %dma_wait3A_82] : memref<10240x128xf32, #tpu.memory_space<hbm>> -> memref<4x128xf32, #tpu.memory_space<hbm>>
    %dma_wait3A_84 = arith.constant 0 : i32
    %dma_wait3A_85 = arith.constant 0 : i32
    %dma_wait3A_86 = tpu.memref_slice %arg12[%dma_wait3A_75, %dma_wait3A_84, %dma_wait3A_85] : memref<2x4x128xf32, #tpu.memory_space<vmem>> -> memref<1x4x128xf32, #tpu.memory_space<vmem>>
    %dma_wait3A_87 = tpu.memref_squeeze %dma_wait3A_86 : memref<1x4x128xf32, #tpu.memory_space<vmem>> -> memref<4x128xf32, #tpu.memory_space<vmem>>
    tpu.wait_dma2 semaphore(%arg19 : memref<!tpu.dma_semaphore, #tpu.memory_space<semaphore_mem>>) src(%dma_wait3A_87 : memref<4x128xf32, #tpu.memory_space<vmem>>) dst(%dma_wait3A_83 : memref<4x128xf32, #tpu.memory_space<hbm>>)
    return
  }
}

module attributes {stable_mosaic.version = 14 : i64} {
  func.func @_proj_body(%arg0: i32, %arg1: memref<128x1024xf32, #tpu.memory_space<vmem>>, %arg2: memref<128x128xf32, #tpu.memory_space<vmem>>, %arg3: memref<128x128xf32, #tpu.memory_space<vmem>>, %arg4: memref<1024x128xf32, #tpu.memory_space<vmem>>, %arg5: memref<1024x128xf32, #tpu.memory_space<vmem>>) attributes {dimension_semantics = [#tpu.dimension_semantics<arbitrary>], iteration_bounds = array<i64: 10>, scalar_prefetch = 0 : i64, scratch_operands = 0 : i64, tpu.core_type = #tpu.core_type<tc>, window_params = [{transform_indices = @transform_0, window_bounds = array<i64: 128, 1024>}, {pipeline_mode = #tpu.pipeline_mode<synchronous>, transform_indices = @transform_1, window_bounds = array<i64: 128, 128>}, {pipeline_mode = #tpu.pipeline_mode<synchronous>, transform_indices = @transform_2, window_bounds = array<i64: 128, 128>}, {transform_indices = @transform_3, window_bounds = array<i64: 1024, 128>}, {transform_indices = @transform_4, window_bounds = array<i64: 1024, 128>}]} {
    %get3A = arith.constant 0 : index
    %get3A_0 = arith.constant 0 : index
    %get3A_1 = vector.load %arg1[%get3A, %get3A_0] : memref<128x1024xf32, #tpu.memory_space<vmem>>, vector<128x1024xf32>
    %get3A_2 = arith.constant 0 : index
    %get3A_3 = arith.constant 0 : index
    %get3A_4 = vector.load %arg2[%get3A_2, %get3A_3] : memref<128x128xf32, #tpu.memory_space<vmem>>, vector<128x128xf32>
    %dot_general3A = arith.constant dense<0.000000e+00> : vector<1024x128xf32>
    %dot_general3A_5 = tpu.matmul %get3A_1, %get3A_4, %dot_general3A {dimension_numbers = #tpu.dot_dimension_numbers<[0], [1], [1], [0], [0, 1, 1, 0], [], []>, transpose_lhs_hint = false} : vector<128x1024xf32>, vector<128x128xf32>, vector<1024x128xf32> -> vector<1024x128xf32>
    %swap3A = arith.constant 0 : index
    %swap3A_6 = arith.constant 0 : index
    %swap3A_7 = vector.load %arg4[%swap3A, %swap3A_6] : memref<1024x128xf32, #tpu.memory_space<vmem>>, vector<1024x128xf32>
    tpu.vector_store %arg4[%swap3A, %swap3A_6], %dot_general3A_5 {strides = array<i32>} : memref<1024x128xf32, #tpu.memory_space<vmem>>, vector<1024x128xf32>,
    %get3A_8 = arith.constant 0 : index
    %get3A_9 = arith.constant 0 : index
    %get3A_10 = vector.load %arg3[%get3A_8, %get3A_9] : memref<128x128xf32, #tpu.memory_space<vmem>>, vector<128x128xf32>
    %dot_general3A_11 = arith.constant dense<0.000000e+00> : vector<1024x128xf32>
    %dot_general3A_12 = tpu.matmul %get3A_1, %get3A_10, %dot_general3A_11 {dimension_numbers = #tpu.dot_dimension_numbers<[0], [1], [1], [0], [0, 1, 1, 0], [], []>, transpose_lhs_hint = false} : vector<128x1024xf32>, vector<128x128xf32>, vector<1024x128xf32> -> vector<1024x128xf32>
    %swap3A_13 = arith.constant 0 : index
    %swap3A_14 = arith.constant 0 : index
    %swap3A_15 = vector.load %arg5[%swap3A_13, %swap3A_14] : memref<1024x128xf32, #tpu.memory_space<vmem>>, vector<1024x128xf32>
    tpu.vector_store %arg5[%swap3A_13, %swap3A_14], %dot_general3A_12 {strides = array<i32>} : memref<1024x128xf32, #tpu.memory_space<vmem>>, vector<1024x128xf32>,
    return
  }
  func.func @transform_0(%arg0: i32) -> (i32, i32) {
    %c0_i32 = arith.constant 0 : i32
    %c0_i32_0 = arith.constant 0 : i32
    return %c0_i32, %arg0 : i32, i32
  }
  func.func @transform_1(%arg0: i32) -> (i32, i32) {
    %c0_i32 = arith.constant 0 : i32
    %c0_i32_0 = arith.constant 0 : i32
    %c0_i32_1 = arith.constant 0 : i32
    return %c0_i32, %c0_i32_0 : i32, i32
  }
  func.func @transform_2(%arg0: i32) -> (i32, i32) {
    %c0_i32 = arith.constant 0 : i32
    %c0_i32_0 = arith.constant 0 : i32
    %c0_i32_1 = arith.constant 0 : i32
    return %c0_i32, %c0_i32_0 : i32, i32
  }
  func.func @transform_3(%arg0: i32) -> (i32, i32) {
    %c0_i32 = arith.constant 0 : i32
    %c0_i32_0 = arith.constant 0 : i32
    return %arg0, %c0_i32 : i32, i32
  }
  func.func @transform_4(%arg0: i32) -> (i32, i32) {
    %c0_i32 = arith.constant 0 : i32
    %c0_i32_0 = arith.constant 0 : i32
    return %arg0, %c0_i32 : i32, i32
  }
}

</mosaic_0001>

<sc_bundles>
// kernel: kernel.4.cloned.1.call-start
scs
__scs_entry_jumppad:
0x0: {  	(pc) =	sbr.rel $0x88, $3  }
0x1: {  	(tag) =	ssettag $0x0;
	lr =	simm.s32 $0x1  }
0x2: {  	[smem:$0x3F9C] =	sst lr;
	_ =	strace $0xD0000000  }
0x3: {  	_ = 	snop  }
0x4: {  	_ = 	snop  }
0x5: {  	_ = 	snop  }
0x6: {  	_ = 	snop  }
0x7: {  	_ = 	snop  }
__scs_overlays_trampoline_lowered:
0x8: {  	[smem:$0x3FAB] =	sst s0  }
0x9: {  	[smem:$0x3FAC] =	sst s1  }
0xa: {  	[smem:$0x3FAD] =	sst s2  }
0xb: {  	[smem:$0x3FAE] =	sst s3  }
0xc: {  	[smem:$0x3FAF] =	sst s4  }
0xd: {  	[smem:$0x3FB0] =	sst s5  }
0xe: {  	[smem:$0x3FB1] =	sst s6  }
0xf: {  	[smem:$0x3FB2] =	sst s7  }
0x10: {  	[smem:$0x3FB3] =	sst s8  }
0x11: {  	[smem:$0x3FB4] =	sst s9;
	s0 =	simm.s32 @!p0 $0x0  }
0x12: {  	s1 =	sld [smem:$0x3F9A];
	s0 =	simm.s32 @p0 $0x1  }
0x13: {  	[smem:$0x3FB5] =	sst s0;
	s0 =	simm.s32 @!p1 $0x0  }
0x14: {  	s2 =	sld [smem:$0x3F99];
	s0 =	simm.s32 @p1 $0x1  }
0x15: {  	[smem:$0x3FB6] =	sst s0;
	s0 =	simm.s32 @!p2 $0x0  }
0x16: {  	s3 =	sld [smem:$0x3FDB];
	s0 =	simm.s32 @p2 $0x1  }
0x17: {  	s4 =	simm.s32 $0x1BF5;
	[smem:$0x3FB8] =	sst s0  }
0x18: {  	s0 =	sld [smem:$0x3F9B];
	_ =	swait.ge [sflag:s4], $0x0  }
0x19: {  	s7 =	sld [smem:$0x3F9C]  }
0x1a: {  	s8 =	sadd.s32 $0xFFFFE003, lr  }
0x1b: {  	s9 =	sadd.s32 $0xFFFFFEF7, lr;
	s5 =	simm.s32 $0xFFFFFFFF;
	p2 =	slt.u32 s8, $0xFFFFF086  }
0x1c: {  	p1 =	slt.u32 s9, $0xF7A;
	s5 =	simm.s32 @!p2 $0x0  }
0x1d: {  	s5 =	simm.s32 @p1 $0x1;
	p0 =	seq.s32 s7, s2  }
0x1e: {  	s7 =	smul.u32 @!p0 $0xF7A, s2;
	p2 =	seq.s32 @!p0 s5, $0x0  }
0x1f: {  	s9 =	smul.u32 $0xF7A, s1;
	s8 =	simm.s32 @!p0 $0x1BF5;
	p2 =	por !p2, p0  }
0x20: {  	[sflag:s8] =	ssyncset.s32 @!p0 $0xFFFFF086;
	s6 =	sadd.s32 @!p0 s3, s7;
	s7 =	simm.s32 @!p0 $0x108  }
0x21: {  	s3 =	sadd.s32 s3, s9;
	s6 =	sadd.s32 @!p0 $0x88, s6;
	s7 =	simm.s32 @p2 $0x1082  }
0x22: {  	[simem:s7], [sflag:s8] =	dma.local @!p0 [hbm:s6], $0xF7A  }
0x23: {  	s9 =	sor.u32 $0xD0000000, s2;
	s6 =	simm.s32 $0x108;
	_ =	swait.ge @!p0 [sflag:s8], $0x0  }
0x24: {  	s3 =	sadd.s32 $0x88, s3;
	s6 =	simm.s32 @!p1 $0x1082;
	[sflag:s4] =	ssyncset.s32 $0xFFFFF086  }
0x25: {  	[simem:s6], [sflag:s4] =	dma.local [hbm:s3], $0xF7A  }
0x26: {  	[smem:$0x3F9C] =	sst s1;
	(tag) =	ssettag s2;
	_ =	strace s9  }
0x27: {  	s1 =	sld [smem:$0x3FAC]  }
0x28: {  	s2 =	sld [smem:$0x3FAD]  }
0x29: {  	s4 =	sld [smem:$0x3FAF]  }
0x2a: {  	p0 =	seq.s32 s5, $0x0;
	s5 =	sld [smem:$0x3FB0]  }
0x2b: {  	s6 =	sld [smem:$0x3FB1]  }
0x2c: {  	s7 =	sld [smem:$0x3FB2]  }
0x2d: {  	s3 =	simm.s32 $0x108;
	s8 =	sld [smem:$0x3FB3]  }
0x2e: {  	s3 =	simm.s32 @!p0 $0x1082;
	s9 =	sld [smem:$0x3FB4]  }
0x2f: {  	lr =	sadd.s32 s0, s3;
	s0 =	sld [smem:$0x3FAB]  }
0x30: {  	s3 =	sld [smem:$0x3FAE]  }
0x31: {  	[smem:$0x3FB7] =	sst s10  }
0x32: {  	s10 =	sld [smem:$0x3FB5];
	_ =	sdelay $0x3  }
0x33: {  	p0 =	seq.s32 s10, $0x1;
	s10 =	sld [smem:$0x3FB7];
	_ =	sdelay $0x3  }
0x34: {  	[smem:$0x3FB7] =	sst s10  }
0x35: {  	s10 =	sld [smem:$0x3FB6];
	_ =	sdelay $0x3  }
0x36: {  	p1 =	seq.s32 s10, $0x1;
	s10 =	sld [smem:$0x3FB7];
	_ =	sdelay $0x3  }
0x37: {  	[smem:$0x3FB7] =	sst s10  }
0x38: {  	s10 =	sld [smem:$0x3FB8]  }
0x39: {  	_ = 	snop;
	(pc) =	sbr.ind lr, $3  }
0x3a: {  	_ = 	snop  }
0x3b: {  	_ = 	snop  }
0x3c: {  	p2 =	seq.s32 s10, $0x1;
	s10 =	sld [smem:$0x3FB7]  }
0x3d: {  	_ =	shalt  }
0x3e: {  	_ =	shalt  }
0x3f: {  	_ =	shalt  }
0x40: {  	_ =	shalt  }
0x41: {  	_ =	shalt  }
0x42: {  	_ =	shalt  }
0x43: {  	_ =	shalt  }
0x44: {  	_ =	shalt  }
0x45: {  	_ =	shalt  }
0x46: {  	_ =	shalt  }
0x47: {  	_ =	shalt  }
0x48: {  	_ =	shalt  }
0x49: {  	_ =	shalt  }
0x4a: {  	_ =	shalt  }
0x4b: {  	_ =	shalt  }
0x4c: {  	_ =	shalt  }
0x4d: {  	_ =	shalt  }
0x4e: {  	_ =	shalt  }
0x4f: {  	_ =	shalt  }
0x50: {  	_ =	shalt  }
0x51: {  	_ =	shalt  }
0x52: {  	_ =	shalt  }
0x53: {  	_ =	shalt  }
0x54: {  	_ =	shalt  }
0x55: {  	_ =	shalt  }
0x56: {  	_ =	shalt  }
0x57: {  	_ =	shalt  }
0x58: {  	_ =	shalt  }
0x59: {  	_ =	shalt  }
0x5a: {  	_ =	shalt  }
0x5b: {  	_ =	shalt  }
0x5c: {  	_ =	shalt  }
0x5d: {  	_ =	shalt  }
0x5e: {  	_ =	shalt  }
0x5f: {  	_ =	shalt  }
0x60: {  	_ =	shalt  }
0x61: {  	_ =	shalt  }
0x62: {  	_ =	shalt  }
0x63: {  	_ =	shalt  }
0x64: {  	_ =	shalt  }
0x65: {  	_ =	shalt  }
0x66: {  	_ =	shalt  }
0x67: {  	_ =	shalt  }
0x68: {  	_ =	shalt  }
0x69: {  	_ =	shalt  }
0x6a: {  	_ =	shalt  }
0x6b: {  	_ =	shalt  }
0x6c: {  	_ =	shalt  }
0x6d: {  	_ =	shalt  }
0x6e: {  	_ =	shalt  }
0x6f: {  	_ =	shalt  }
0x70: {  	_ =	shalt  }
0x71: {  	_ =	shalt  }
0x72: {  	_ =	shalt  }
0x73: {  	_ =	shalt  }
0x74: {  	_ =	shalt  }
0x75: {  	_ =	shalt  }
0x76: {  	_ =	shalt  }
0x77: {  	_ =	shalt  }
0x78: {  	_ =	shalt  }
0x79: {  	_ =	shalt  }
0x7a: {  	_ =	shalt  }
0x7b: {  	_ =	shalt  }
0x7c: {  	_ =	shalt  }
0x7d: {  	_ =	shalt  }
0x7e: {  	_ =	shalt  }
0x7f: {  	_ =	shalt  }
0x80: {  	_ =	shalt  }
0x81: {  	_ =	shalt  }
0x82: {  	_ =	shalt  }
0x83: {  	_ =	shalt  }
0x84: {  	_ =	shalt  }
0x85: {  	_ =	shalt  }
0x86: {  	_ =	shalt  }
0x87: {  	_ =	shalt  }
.Lfunc_end0:
.L_simem_size_0:
called_computation_lowered:
.L_overlay_start_0:
0x88: {  	s2 =	sld [smem:$0x3FD9]  }
0x89: {  	s3 =	sld [smem:$0x3FFE];
	_ =	sdelay $0x1  }
0x8a: {  	s1 =	srdreg.scid  }
0x8b: {  	s0 =	sand.u32 $0x1, s1  }
0x8c: {  	s17 =	sshll.u32 s0, $0xA;
	s2 =	sadd.s32 s3, s2  }
0x8d: {  	s2 =	sadd.s32 s2, s17  }
0x8e: {  	[smem:$0x3FC3] =	sst s2  }
0x8f: {  	_ = 	snop  }
0x90: {  	s2 =	sld [smem:$0x3FC5]  }
0x91: {  	s18 =	sld [smem:$0x3FD0];
	(tm) =	ssettm $0x1  }
0x92: {  	s4 =	sld [smem:$0x3FFB];
	_ =	sdelay $0x3  }
0x93: {  	_ =	strace s4  }
0x94: {  	s4 =	sld [smem:$0x3FFC];
	_ =	sdelay $0x3  }
0x95: {  	_ =	strace s4  }
0x96: {  	s4 =	sld [smem:$0x3FFD];
	_ =	sdelay $0x3  }
0x97: {  	_ =	strace s4  }
0x98: {  	_ =	strace $0x8FFFFFFF  }
0x99: {  	s19 =	sld [smem:$0x3FDB];
	_ =	sdelay $0x1  }
0x9a: {  	s5 =	simm.s32 $_scs_section_size  }
0x9b: {  	s6 =	simm.s32 $_size__tile_overlayer_lowered;
	s7 =	simm.s32 $_tile_overlayer_lowered  }
0x9c: {  	s22 =	simm.s32 $0x1BFF;
	s21 =	sshll.u32 s7, $0x1;
	s4 =	sadd.s32 s5, s19  }
0x9d: {  	s8 =	simm.s32 $0x0;
	s20 =	sshll.u32 s6, $0x1;
	s6 =	sadd.s32 s21, s4  }
0x9e: {  	[timem:s8], [sflag:s22] =	dma.local [hbm:s6], s20  }
0x9f: {  	_ =	swait.ge [sflag:s22], s20  }
0xa0: {  	s5 =	ssub.s32 $0x0, s20;
	[sflag:s22] =	ssyncset.done $0x0  }
0xa1: {  	[sflag:s22] =	ssyncadd.s32 s5;
	_ =	sdelay $0x1  }
0xa2: {  	s23 =	simm.s32 $0x1B8B  }
0xa3: {  	_ =	swait.ge [sflag:s23], $0x1  }
0xa4: {  	[sflag:s23] =	ssyncset.done $0x0  }
0xa5: {  	s25 =	simm.s32 $0x1B8E;
	s24 =	sld [smem:$0x3FFE];
	[sflag:s23] =	ssyncadd.s32 $0xFFFFFFFF  }
0xa6: {  	s26 =	simm.s32 $execute0_lowered;
	[smem:$0x3FD2] =	sst s25  }
0xa7: {  	s6 =	sshll.u32 s26, $0x1;
	_ =	strace $0x80000046;
	[dreg:$0x1] =	wrdreg $0xFFFFFFFF  }
0xa8: {  	s28 =	simm.s32 $_size_execute0_lowered;
	s4 =	sadd.s32 s4, s6;
	[dreg:$0x0] =	wrdreg $0x0  }
0xa9: {  	s6 =	sshll.u32 s28, $0x1;
	[dreg:$0x2] =	wrdreg s4  }
0xaa: {  	[dreg:$0x3] =	wrdreg s6  }
0xab: {  	[dreg:$0x4] =	wrdreg $0xC0  }
0xac: {  	_ =	task [dreg:s8], $0x5FFFF  }
0xad: {  	[dreg:$0x1] =	wrdreg $0xFFFFFFFF  }
0xae: {  	[dreg:$0x0] =	wrdreg $0x60  }
0xaf: {  	[dreg:$0x2] =	wrdreg s18  }
0xb0: {  	[dreg:$0x3] =	wrdreg s24  }
0xb1: {  	[dreg:$0x4] =	wrdreg s2  }
0xb2: {  	[dreg:$0x5] =	wrdreg $0xD9000  }
0xb3: {  	[dreg:$0x6] =	wrdreg $0x9  }
0xb4: {  	_ =	task.clear_ibuf [dreg:s8], $0x7FFFF;
	_ =	strace $0x90000046  }
0xb5: {  	s29 =	simm.s32 $0x9;
	_ =	strace $0x80000048  }
0xb6: {  	_ =	swait.ge [sflag:s29], $0x1  }
0xb7: {  	[sflag:s29] =	ssyncadd.s32 $0xFFFFFFFF  }
0xb8: {  	_ =	strace $0x90000048  }
0xb9: {  	_ =	sfence  }
0xba: {  	s30 =	sld [smem:$0x0];
	_ =	sdelay $0x2  }
0xbb: {  	s31 =	sshll.u32 s1, $0xD;
	s1 =	sshrl.u32 s1, $0x2  }
0xbc: {  	s3 =	sand.u32 $0x4000, s31;
	s1 =	sadd.s32 s1, s30  }
0xbd: {  	s0 =	sor.u32 s3, s0;
	s1 =	sshll.u32 s1, $0x11  }
0xbe: {  	s0 =	sor.u32 s1, s0  }
0xbf: {  	s0 =	sadd.s32 $0x8F2B, s0  }
0xc0: {  	[sflag:s0] =	ssyncadd.remote.s32 $0x1  }
0xc1: {  	_ =	sfence.sel $0xFFFF  }
0xc2: {  	[dreg:$0x0] =	wrdreg $0xFFFFFFFF;
	(pc) =	sbr.abs _section_cstart, $3  }
0xc3: {  	[dreg:$0x1] =	wrdreg $0xFFFFFFFF  }
0xc4: {  	_ =	task.clear_ibuf [dreg:s8], $0x2FFFF;
	_ =	strace $0x9FFFFFFF  }
0xc5: {  	(tm) =	ssettm $0x7FFFFFFF  }
tec
execute0_lowered:
.L_overlay_start_1:
0x0: {  	(tag) =	ssettag $0x1  }
0x1: {  	s0 =	rddreg [dreg:$0x0]  }
0x2: {  	s1 =	rddreg [dreg:$0x1]  }
0x3: {  	s2 =	rddreg [dreg:$0x3];
	s4 =	simm.s32 $0x0  }
0x4: {  	s3 =	srdreg.scid;
	s13 =	stileid.u32;
	s28 =	simm.s32 $0x5080  }
0x5: {  	s29 =	simm.s32 $0x1;
	s30 =	simm.s32 $0x5;
	s7 =	smul.u32 $0x28000, s13  }
0x6: {  	s31 =	simm.s32 $0xD700;
	s3 =	sand.u32 $0x1, s3;
	s15 =	smul.u32 $0x2800, s13  }
0x7: {  	[smem:$0x7FF] =	sst s4;
	s6 =	sshll.u32 s13, $0x1;
	s18 =	smul.u32 $0xA000, s3  }
0x8: {  	s5 =	sadd.s32 $0x29400, s1;
	s6 =	sor.u32 s3, s6;
	s19 =	smul.u32 $0x1400, s3  }
0x9: {  	s8 =	sadd.s32 $0x1400, s1;
	s1 =	sadd.s32 $0x51400, s1;
	s10 =	smul.u32 $0x500, s6  }
0xa: {  	_ =	strace $0x80000047;
	s9 =	ssub.s32 $0x2, s3;
	s12 =	smul.u32 $0xA000, s6  }
0xb: {  	s3 =	simm.s32 $0xD500;
	s11 =	sshrl.u32 s9, $0x1;
	s24 =	smul.u32 $0x1400, s6  }
0xc: {  	s7 =	sshrl.u32 s7, $0x2;
	s6 =	smul.u32 $0x14000, s13;
	s0 =	sadd.s32 s0, s10  }
0xd: {  	s9 =	ssub.s32 s9, s11;
	s25 =	sadd.s32 s8, s24;
	[dreg:$0x5] =	wrdreg s0  }
0xe: {  	s7 =	sadd.s32 s7, s2;
	s9 =	smax.u32 s9, $0x1;
	[dreg:$0x6] =	wrdreg s25  }
0xf: {  	s12 =	sshrl.u32 s12, $0x3;
	s16 =	sadd.s32 s1, s24;
	[dreg:$0x7] =	wrdreg s9  }
0x10: {  	s21 =	sadd.s32 s18, s6;
	s26 =	sor.u32 $0x40, s12;
	[dreg:$0x9] =	wrdreg s16  }
0x11: {  	s17 =	sadd.s32 s12, s8;
	s20 =	sadd.s32 $0x13C0, s12;
	s9 =	sadd.s32 s15, s1  }
0x12: {  	s23 =	sor.u32 $0x400, s21;
	s25 =	sor.u32 $0x800, s21;
	s21 =	simm.s32 $0x9500  }
0x13: {  	s14 =	sadd.s32 s8, s26;
	s10 =	sadd.s32 $0x80, s17;
	s0 =	sadd.s32 s1, s26  }
0x14: {  	s22 =	sadd.s32 s8, s20;
	s16 =	sadd.s32 s1, s20;
	[dreg:$0x8] =	wrdreg s14  }
0x15: {  	s24 =	sshrl.u32 s23, $0x3;
	s26 =	sshrl.u32 s25, $0x3;
	[dreg:$0xa] =	wrdreg s10  }
0x16: {  	s23 =	simm.s32 $0x5500;
	s25 =	simm.s32 $0x80;
	[dreg:$0xb] =	wrdreg s0  }
0x17: {  	[dreg:$0xc] =	wrdreg s22;
	s0 =	sadd.s32 s19, s9;
	s1 =	sadd.s32 s24, s1  }
0x18: {  	s20 =	sadd.s32 s26, s8;
	s22 =	simm.s32 $0x7;
	s26 =	simm.s32 $0x3  }
0x19: {  	s9 =	simm.s32 $0x0;
	s17 =	sadd.s32 $0x80, s0;
	s0 =	sadd.s32 s24, s8  }
0x1a: {  	s18 =	sadd.s32 $0x40, s1;
	s1 =	simm.s32 $0x2;
	s24 =	simm.s32 $0x6  }
0x1b: {  	s8 =	simm.s32 $0x4;
	s19 =	sadd.s32 $0x40, s0;
	s0 =	simm.s32 $0x5280  }
.LBB2_1:
0x1c: {  	s10 =	simm.s32 $0x0  }
.LBB2_2:
0x1d: {  	s11 =	sshll.u32 s10, $0xE  }
0x1e: {  	s11 =	sadd.s32 s6, s11  }
0x1f: {  	s11 =	sshrl.u32 s11, $0x3  }
0x20: {  	s12 =	simm.s32 $0x0;
	s11 =	sadd.s32 s5, s11  }
0x21: {  	[tilespmem:s21], [sflag:$0x7] =	stream.linear.gather [hbm4b:s11+s12], $0x4000, $0x38;
	[tilespmem:$0x17900] =	vst v63  }
0x22: {  	_ =	swait.ge [sflag:s22], $0x4000  }
0x23: {  	[sflag:s22] =	ssyncset.done $0x0  }
0x24: {  	s12 =	simm.s32 $0x0;
	[sflag:s22] =	ssyncadd.s32 $0xFFFFC000  }
0x25: {  	v0 =	vld [tilespmem:s12+$0x9500]  }
0x26: {  	v1 =	vld [tilespmem:s12+$0x9510];
	_ =	sdelay $0x4  }
0x27: {  	s11 =	simm.s32 $0x5540;
	v0 =	vpack.i.f32.bf16 v1, v0  }
0x28: {  	[tilespmem:s11+$0xFFFFFFC0] =	vst v0  }
0x29: {  	v0 =	vld [tilespmem:s12+$0x9520]  }
0x2a: {  	v1 =	vld [tilespmem:s12+$0x9530];
	_ =	sdelay $0x4  }
0x2b: {  	v0 =	vpack.i.f32.bf16 v1, v0  }
0x2c: {  	[tilespmem:s11+$0xFFFFFFD0] =	vst v0  }
0x2d: {  	v0 =	vld [tilespmem:s12+$0x9540]  }
0x2e: {  	v1 =	vld [tilespmem:s12+$0x9550];
	_ =	sdelay $0x4  }
0x2f: {  	v0 =	vpack.i.f32.bf16 v1, v0  }
0x30: {  	[tilespmem:s11+$0xFFFFFFE0] =	vst v0  }
0x31: {  	v0 =	vld [tilespmem:s12+$0x9560]  }
0x32: {  	v1 =	vld [tilespmem:s12+$0x9570];
	_ =	sdelay $0x4  }
0x33: {  	v0 =	vpack.i.f32.bf16 v1, v0  }
0x34: {  	[tilespmem:s11+$0xFFFFFFF0] =	vst v0  }
0x35: {  	v0 =	vld [tilespmem:s12+$0x9580]  }
0x36: {  	v1 =	vld [tilespmem:s12+$0x9590];
	_ =	sdelay $0x4  }
0x37: {  	v0 =	vpack.i.f32.bf16 v1, v0  }
0x38: {  	[tilespmem:s11+$0x0] =	vst v0  }
0x39: {  	v0 =	vld [tilespmem:s12+$0x95A0]  }
0x3a: {  	v1 =	vld [tilespmem:s12+$0x95B0];
	_ =	sdelay $0x4  }
0x3b: {  	v0 =	vpack.i.f32.bf16 v1, v0  }
0x3c: {  	[tilespmem:s11+$0x10] =	vst v0  }
0x3d: {  	v0 =	vld [tilespmem:s12+$0x95C0]  }
0x3e: {  	v1 =	vld [tilespmem:s12+$0x95D0];
	_ =	sdelay $0x4  }
0x3f: {  	s13 =	simm.s32 $0x400;
	s14 =	simm.s32 $0x5540;
	v0 =	vpack.i.f32.bf16 v1, v0  }
.LBB2_3:
0x40: {  	p0 =	sne.s32 s13, $0xFC00  }
0x41: {  	[tilespmem:s11+$0x20] =	vst v0;
	s14 =	sadd.s32 $0x80, s14;
	s15 =	smov.u32 s13;
	s13 =	sadd.s32 $0x400, s13  }
0x42: {  	v0 =	vld [tilespmem:s12+$0x95E0]  }
0x43: {  	v1 =	vld [tilespmem:s12+$0x95F0];
	_ =	sdelay $0x4  }
0x44: {  	v0 =	vpack.i.f32.bf16 v1, v0  }
0x45: {  	s12 =	sshra.s32 s15, $0x2;
	[tilespmem:s11+$0x30] =	vst v0;
	s11 =	smov.u32 s14  }
0x46: {  	v0 =	vld [tilespmem:s12+$0x9500]  }
0x47: {  	v1 =	vld [tilespmem:s12+$0x9510];
	_ =	sdelay $0x4  }
0x48: {  	v0 =	vpack.i.f32.bf16 v1, v0  }
0x49: {  	[tilespmem:s14+$0xFFFFFFC0] =	vst v0  }
0x4a: {  	v0 =	vld [tilespmem:s12+$0x9520]  }
0x4b: {  	v1 =	vld [tilespmem:s12+$0x9530];
	_ =	sdelay $0x4  }
0x4c: {  	v0 =	vpack.i.f32.bf16 v1, v0  }
0x4d: {  	[tilespmem:s14+$0xFFFFFFD0] =	vst v0  }
0x4e: {  	v0 =	vld [tilespmem:s12+$0x9540]  }
0x4f: {  	v1 =	vld [tilespmem:s12+$0x9550];
	_ =	sdelay $0x4  }
0x50: {  	v0 =	vpack.i.f32.bf16 v1, v0  }
0x51: {  	[tilespmem:s14+$0xFFFFFFE0] =	vst v0  }
0x52: {  	v0 =	vld [tilespmem:s12+$0x9560]  }
0x53: {  	v1 =	vld [tilespmem:s12+$0x9570];
	_ =	sdelay $0x4  }
0x54: {  	v0 =	vpack.i.f32.bf16 v1, v0  }
0x55: {  	[tilespmem:s14+$0xFFFFFFF0] =	vst v0  }
0x56: {  	v0 =	vld [tilespmem:s12+$0x9580]  }
0x57: {  	v1 =	vld [tilespmem:s12+$0x9590];
	_ =	sdelay $0x4  }
0x58: {  	v0 =	vpack.i.f32.bf16 v1, v0  }
0x59: {  	[tilespmem:s14+$0x0] =	vst v0  }
0x5a: {  	v0 =	vld [tilespmem:s12+$0x95A0]  }
0x5b: {  	v1 =	vld [tilespmem:s12+$0x95B0];
	_ =	sdelay $0x4  }
0x5c: {  	v0 =	vpack.i.f32.bf16 v1, v0  }
0x5d: {  	[tilespmem:s14+$0x10] =	vst v0  }
0x5e: {  	v0 =	vld [tilespmem:s12+$0x95C0]  }
0x5f: {  	v1 =	vld [tilespmem:s12+$0x95D0]  }
.Ltmp0:
0x60: {  	(pc) =	sbr.rel @p0 .LBB2_3-.Ltmp0, $2  }
0x61: {  	_ =	sdelay $0x2  }
0x62: {  	v0 =	vpack.i.f32.bf16 v1, v0  }
0x63: {  	[tilespmem:s11+$0x20] =	vst v0  }
0x64: {  	v0 =	vld [tilespmem:s12+$0x95E0]  }
0x65: {  	v1 =	vld [tilespmem:s12+$0x95F0];
	_ =	sdelay $0x3  }
0x66: {  	s14 =	sshll.u32 s10, $0xD;
	s10 =	sadd.s32 $0x1, s10  }
0x67: {  	s12 =	sand.u32 $0x3FFFE000, s14;
	p0 =	sne.s32 s10, $0x5;
	v0 =	vpack.i.f32.bf16 v1, v0  }
.Ltmp1:
0x68: {  	s15 =	sadd.s32 s12, s7;
	[tilespmem:s11+$0x30] =	vst v0;
	(pc) =	sbr.rel @p0 .LBB2_2-.Ltmp1, $4  }
0x69: {  	[spmem:s15] =	stream.linear.scatter [tilespmem:s23], [sflag:$0x7], $0x2000, $0x38;
	[tilespmem:$0x17900] =	vst v63  }
0x6a: {  	_ =	swait.ge [sflag:s22], $0x2000  }
0x6b: {  	[sflag:s22] =	ssyncset.done $0x0  }
0x6c: {  	[sflag:s22] =	ssyncadd.s32 $0xFFFFE000  }
0x6d: {  	s10 =	simm.s32 $0x0;
	s11 =	rddreg [dreg:$0x5]  }
0x6e: {  	[tilespmem:s10], [sflag:$0x7] =	stream.linear.gather [hbm4b:s11+s10], $0x2800, $0x38;
	[tilespmem:$0x17900] =	vst v63  }
0x6f: {  	_ =	swait.ge [sflag:s22], $0x2800  }
0x70: {  	[sflag:s22] =	ssyncset.done $0x0  }
0x71: {  	[sflag:s22] =	ssyncadd.s32 $0xFFFFD800  }
0x72: {  	s12 =	simm.s32 $0x5480;
	s15 =	rddreg [dreg:$0x2]  }
0x73: {  	[tilespmem:s12], [sflag:$0x7] =	stream.linear.gather [hbm4b:s15+s10], $0x80, $0x38;
	[tilespmem:$0x17900] =	vst v63  }
0x74: {  	_ =	swait.ge [sflag:s22], $0x80  }
0x75: {  	[sflag:s22] =	ssyncset.done $0x0  }
0x76: {  	s10 =	simm.s32 $0x0;
	[sflag:s22] =	ssyncadd.s32 $0xFFFFFF80  }
0x77: {  	s11 =	simm.s32 $0x40;
	v0 =	vld [tilespmem:s10+$0x0]  }
.LBB2_6:
0x78: {  	p0 =	sne.s32 s11, $0x9FC0  }
.Ltmp2:
0x79: {  	_ = 	snop;
	(pc) =	sbr.rel @p0 .LBB2_6-.Ltmp2, $3  }
0x7a: {  	_ =	sdelay $0x1  }
0x7b: {  	s12 =	sshra.s32 s11, $0x2;
	s11 =	sadd.s32 $0x40, s11;
	v1 =	vshrl.u32 v0, $0x1  }
0x7c: {  	v0 =	vld [tilespmem:s12+$0x0];
	[tilespmem:s10+$0x2880] =	vst v1;
	s10 =	smov.u32 s12  }
0x7d: {  	_ =	sdelay $0x3  }
0x7e: {  	v0 =	vshrl.u32 v0, $0x1  }
0x7f: {  	[tilespmem:s10+$0x2880] =	vst v0  }
0x80: {  	s13 =	simm.s32 $0x2880;
	[bflag:$0x0] =	sbarrier.arrive $0xFFFF  }
0x81: {  	[tilespmem:s23], [sflag:$0x1] =	stream.indirect.gather [spmem:s2], $0x80, s13, s25, $0xb8;
	[tilespmem:$0x17900] =	vst v63  }
0x82: {  	s10 =	simm.s32 $0x0;
	s11 =	rddreg [dreg:$0x6]  }
0x83: {  	[tilespmem:s28], [sflag:$0x5] =	stream.linear.gather [hbm4b:s11+s10], $0x200, $0x38;
	[tilespmem:$0x17900] =	vst v63  }
0x84: {  	_ =	swait.ge [sflag:s29], $0x4000  }
0x85: {  	[sflag:s29] =	ssyncset.done $0x0  }
0x86: {  	[sflag:s29] =	ssyncadd.s32 $0xFFFFC000  }
0x87: {  	_ =	swait.ge [sflag:s30], $0x200  }
0x88: {  	[sflag:s30] =	ssyncset.done $0x0  }
0x89: {  	s14 =	simm.s32 $0x2900;
	[sflag:s30] =	ssyncadd.s32 $0xFFFFFE00  }
0x8a: {  	[tilespmem:s21], [sflag:$0x2] =	stream.indirect.gather [spmem:s2], $0x80, s14, s25, $0xb8;
	[tilespmem:$0x17900] =	vst v63  }
0x8b: {  	s15 =	rddreg [dreg:$0x8]  }
0x8c: {  	[tilespmem:s0], [sflag:$0x6] =	stream.linear.gather [hbm4b:s15+s10], $0x200, $0x38;
	[tilespmem:$0x17900] =	vst v63  }
0x8d: {  	s12 =	rddreg [dreg:$0x9]  }
0x8e: {  	[hbm4b:s12+s10] =	stream.linear.scatter [tilespmem:s3], [sflag:$0x3], $0x200, $0x38;
	[tilespmem:$0x17900] =	vst v63  }
0x8f: {  	_ =	swait.ge [sflag:s1], $0x4000  }
0x90: {  	[sflag:s1] =	ssyncset.done $0x0  }
0x91: {  	[sflag:s1] =	ssyncadd.s32 $0xFFFFC000  }
0x92: {  	_ =	swait.ge [sflag:s24], $0x200  }
0x93: {  	[sflag:s24] =	ssyncset.done $0x0  }
0x94: {  	s13 =	simm.s32 $0x2980;
	[sflag:s24] =	ssyncadd.s32 $0xFFFFFE00  }
0x95: {  	[tilespmem:s23], [sflag:$0x1] =	stream.indirect.gather [spmem:s2], $0x80, s13, s25, $0xb8;
	[tilespmem:$0x17900] =	vst v63  }
0x96: {  	s14 =	rddreg [dreg:$0xa]  }
0x97: {  	[tilespmem:s28], [sflag:$0x5] =	stream.linear.gather [hbm4b:s14+s10], $0x200, $0x38;
	[tilespmem:$0x17900] =	vst v63  }
0x98: {  	s15 =	rddreg [dreg:$0xb]  }
0x99: {  	[hbm4b:s15+s10] =	stream.linear.scatter [tilespmem:s31], [sflag:$0x4], $0x200, $0x38;
	[tilespmem:$0x17900] =	vst v63  }
0x9a: {  	_ =	swait.ge [sflag:s29], $0x4000  }
0x9b: {  	[sflag:s29] =	ssyncset.done $0x0  }
0x9c: {  	[sflag:s29] =	ssyncadd.s32 $0xFFFFC000  }
0x9d: {  	_ =	swait.ge [sflag:s30], $0x200  }
0x9e: {  	[sflag:s30] =	ssyncset.done $0x0  }
0x9f: {  	s11 =	simm.s32 $0x2A00;
	[sflag:s30] =	ssyncadd.s32 $0xFFFFFE00  }
0xa0: {  	[tilespmem:s21], [sflag:$0x2] =	stream.indirect.gather [spmem:s2], $0x80, s11, s25, $0xb8;
	[tilespmem:$0x17900] =	vst v63  }
0xa1: {  	s12 =	sadd.s32 $0x0, s19  }
0xa2: {  	[tilespmem:s0], [sflag:$0x6] =	stream.linear.gather [hbm4b:s12+s4], $0x200, $0x38;
	[tilespmem:$0x17900] =	vst v63  }
0xa3: {  	_ =	swait.ge [sflag:s26], $0x200  }
0xa4: {  	[sflag:s26] =	ssyncset.done $0x0  }
0xa5: {  	s13 =	sadd.s32 $0x0, s17;
	[sflag:s26] =	ssyncadd.s32 $0xFFFFFE00  }
0xa6: {  	[hbm4b:s13+s4] =	stream.linear.scatter [tilespmem:s3], [sflag:$0x3], $0x200, $0x38;
	[tilespmem:$0x17900] =	vst v63  }
0xa7: {  	_ =	swait.ge [sflag:s1], $0x4000  }
0xa8: {  	[sflag:s1] =	ssyncset.done $0x0  }
0xa9: {  	[sflag:s1] =	ssyncadd.s32 $0xFFFFC000  }
0xaa: {  	_ =	swait.ge [sflag:s24], $0x200  }
0xab: {  	[sflag:s24] =	ssyncset.done $0x0  }
0xac: {  	s14 =	simm.s32 $0x2A80;
	[sflag:s24] =	ssyncadd.s32 $0xFFFFFE00  }
0xad: {  	[tilespmem:s23], [sflag:$0x1] =	stream.indirect.gather [spmem:s2], $0x80, s14, s25, $0xb8;
	[tilespmem:$0x17900] =	vst v63  }
0xae: {  	s15 =	sadd.s32 $0x0, s20  }
0xaf: {  	[tilespmem:s28], [sflag:$0x5] =	stream.linear.gather [hbm4b:s15+s4], $0x200, $0x38;
	[tilespmem:$0x17900] =	vst v63  }
0xb0: {  	_ =	swait.ge [sflag:s8], $0x200  }
0xb1: {  	s10 =	simm.s32 $0x80;
	[sflag:s8] =	ssyncset.done $0x0  }
0xb2: {  	s11 =	simm.s32 $0x2B00;
	s12 =	sadd.s32 $0x0, s18;
	[sflag:s8] =	ssyncadd.s32 $0xFFFFFE00  }
.LBB2_8:
0xb3: {  	[hbm4b:s12+s4] =	stream.linear.scatter [tilespmem:s31], [sflag:$0x4], $0x200, $0x38;
	[tilespmem:$0x17900] =	vst v63  }
0xb4: {  	s12 =	smov.u32 s10;
	s10 =	sadd.s32 $0x80, s10;
	_ =	swait.ge [sflag:s29], $0x4000  }
0xb5: {  	p0 =	sne.s32 s10, $0x1300;
	[sflag:s29] =	ssyncset.done $0x0  }
0xb6: {  	[sflag:s29] =	ssyncadd.s32 $0xFFFFC000  }
0xb7: {  	_ =	swait.ge [sflag:s30], $0x200  }
0xb8: {  	[sflag:s30] =	ssyncset.done $0x0  }
0xb9: {  	[sflag:s30] =	ssyncadd.s32 $0xFFFFFE00  }
0xba: {  	[tilespmem:s21], [sflag:$0x2] =	stream.indirect.gather [spmem:s2], $0x80, s11, s25, $0xb8;
	[tilespmem:$0x17900] =	vst v63  }
0xbb: {  	s13 =	sadd.s32 s12, s19  }
0xbc: {  	[tilespmem:s0], [sflag:$0x6] =	stream.linear.gather [hbm4b:s13+s4], $0x200, $0x38;
	[tilespmem:$0x17900] =	vst v63  }
0xbd: {  	_ =	swait.ge [sflag:s26], $0x200  }
0xbe: {  	[sflag:s26] =	ssyncset.done $0x0  }
0xbf: {  	s13 =	sadd.s32 s12, s17;
	[sflag:s26] =	ssyncadd.s32 $0xFFFFFE00  }
0xc0: {  	[hbm4b:s13+s4] =	stream.linear.scatter [tilespmem:s3], [sflag:$0x3], $0x200, $0x38;
	[tilespmem:$0x17900] =	vst v63  }
0xc1: {  	_ =	swait.ge [sflag:s1], $0x4000  }
0xc2: {  	[sflag:s1] =	ssyncset.done $0x0  }
0xc3: {  	[sflag:s1] =	ssyncadd.s32 $0xFFFFC000  }
0xc4: {  	_ =	swait.ge [sflag:s24], $0x200  }
0xc5: {  	[sflag:s24] =	ssyncset.done $0x0  }
0xc6: {  	s13 =	sadd.s32 $0x80, s11;
	[sflag:s24] =	ssyncadd.s32 $0xFFFFFE00  }
0xc7: {  	[tilespmem:s23], [sflag:$0x1] =	stream.indirect.gather [spmem:s2], $0x80, s13, s25, $0xb8;
	[tilespmem:$0x17900] =	vst v63  }
.Ltmp3:
0xc8: {  	s13 =	sadd.s32 s12, s20;
	(pc) =	sbr.rel @p0 .LBB2_8-.Ltmp3, $4  }
0xc9: {  	[tilespmem:s28], [sflag:$0x5] =	stream.linear.gather [hbm4b:s13+s4], $0x200, $0x38;
	[tilespmem:$0x17900] =	vst v63  }
0xca: {  	_ =	swait.ge [sflag:s8], $0x200  }
0xcb: {  	[sflag:s8] =	ssyncset.done $0x0  }
0xcc: {  	s11 =	sadd.s32 $0x100, s11;
	s12 =	sadd.s32 s12, s18;
	[sflag:s8] =	ssyncadd.s32 $0xFFFFFE00  }
0xcd: {  	[hbm4b:s12+s4] =	stream.linear.scatter [tilespmem:s31], [sflag:$0x4], $0x200, $0x38;
	[tilespmem:$0x17900] =	vst v63  }
0xce: {  	_ =	swait.ge [sflag:s29], $0x4000  }
0xcf: {  	[sflag:s29] =	ssyncset.done $0x0  }
0xd0: {  	[sflag:s29] =	ssyncadd.s32 $0xFFFFC000  }
0xd1: {  	_ =	swait.ge [sflag:s30], $0x200  }
0xd2: {  	[sflag:s30] =	ssyncset.done $0x0  }
0xd3: {  	s11 =	simm.s32 $0x5000;
	[sflag:s30] =	ssyncadd.s32 $0xFFFFFE00  }
0xd4: {  	[tilespmem:s21], [sflag:$0x2] =	stream.indirect.gather [spmem:s2], $0x80, s11, s25, $0xb8;
	[tilespmem:$0x17900] =	vst v63  }
0xd5: {  	s14 =	rddreg [dreg:$0xc]  }
0xd6: {  	[tilespmem:s0], [sflag:$0x6] =	stream.linear.gather [hbm4b:s14+s4], $0x200, $0x38;
	[tilespmem:$0x17900] =	vst v63  }
0xd7: {  	_ =	swait.ge [sflag:s26], $0x200  }
0xd8: {  	[sflag:s26] =	ssyncset.done $0x0  }
0xd9: {  	s10 =	sadd.s32 s10, s17;
	[sflag:s26] =	ssyncadd.s32 $0xFFFFFE00  }
0xda: {  	[hbm4b:s10+s4] =	stream.linear.scatter [tilespmem:s3], [sflag:$0x3], $0x200, $0x38;
	[tilespmem:$0x17900] =	vst v63  }
0xdb: {  	_ =	swait.ge [sflag:s1], $0x4000  }
0xdc: {  	[sflag:s1] =	ssyncset.done $0x0  }
0xdd: {  	[sflag:s1] =	ssyncadd.s32 $0xFFFFC000  }
0xde: {  	_ =	swait.ge [sflag:s24], $0x200  }
0xdf: {  	[sflag:s24] =	ssyncset.done $0x0  }
0xe0: {  	[sflag:s24] =	ssyncadd.s32 $0xFFFFFE00  }
0xe1: {  	_ =	swait.ge [sflag:s8], $0x200  }
0xe2: {  	[sflag:s8] =	ssyncset.done $0x0  }
0xe3: {  	[sflag:s8] =	ssyncadd.s32 $0xFFFFFE00  }
0xe4: {  	[hbm4b:s16+s4] =	stream.linear.scatter [tilespmem:s31], [sflag:$0x4], $0x200, $0x38;
	[tilespmem:$0x17900] =	vst v63  }
0xe5: {  	_ =	swait.ge [sflag:s26], $0x200  }
0xe6: {  	[sflag:s26] =	ssyncset.done $0x0  }
0xe7: {  	[sflag:s26] =	ssyncadd.s32 $0xFFFFFE00  }
0xe8: {  	_ =	swait.ge [sflag:s8], $0x200  }
0xe9: {  	s9 =	sadd.s32 $0x1, s9;
	s15 =	rddreg [dreg:$0x7]  }
0xea: {  	p0 =	sne.s32 s9, s15  }
.Ltmp4:
0xeb: {  	_ = 	snop;
	(pc) =	sbr.rel @p0 .LBB2_1-.Ltmp4, $3  }
0xec: {  	_ =	sdelay $0x1  }
0xed: {  	[sflag:s8] =	ssyncset.done $0x0  }
0xee: {  	[sflag:s8] =	ssyncadd.s32 $0xFFFFFE00  }
0xef: {  	_ =	sfence.sel $0x180000  }
0xf0: {  	[bflag:$0x0] =	sbarrier.arrive $0xFFFF  }
0xf1: {  	_ =	strace $0x90000047  }
0xf2: {  	s0 =	stileid.u32;
	[bflag:$0x2] =	sbarrier.arrive $0xFFFF  }
0xf3: {  	p0 =	sne.s32 s0, $0x0;
	s0 =	rddreg [dreg:$0x4]  }
0xf4: {  	s0 =	sadd.s32 @!p0 $0x100000, s0  }
0xf5: {  	[sflag:s0] =	ssyncadd.tile.s32 @!p0 $0x1;
	_ =	shalt  }
.Lfunc_end2:
_tile_overlayer_lowered:
.L_overlay_start_2:
0xf6: {  	(tag) =	ssettag $0x2  }
0xf7: {  	s0 =	rddreg [dreg:$0x0];
	s2 =	stileid.u32  }
0xf8: {  	s1 =	rddreg [dreg:$0x1];
	p0 =	sne.s32 s2, $0x0  }
0xf9: {  	s3 =	rddreg [dreg:$0x2];
	[bflag:$0x3] =	sbarrier.arrive $0xFFFF;
	s2 =	simm.s32 @!p0 $0x1C07  }
0xfa: {  	[timem:s3], [sflag:s2] =	dma.local @!p0 [hbm:s0], s1  }
0xfb: {  	s0 =	simm.s32 @!p0 $0x7  }
0xfc: {  	_ =	swait.ge @!p0 [sflag:s0], s1  }
0xfd: {  	s1 =	ssub.s32 @!p0 $0x0, s1;
	[sflag:s0] =	ssyncset.done @!p0 $0x0  }
0xfe: {  	[sflag:s0] =	ssyncadd.s32 @!p0 s1  }
0xff: {  	[bflag:$0x3] =	sbarrier.arrive $0xFFFF  }
0x100: {  	_ =	shalt  }

</sc_bundles>
